<compile_context>
chip_gen: v7x
topology: tpu7x:2x2x1
jax: 0.10.2.dev20260603
libtpu: 0.0.44.dev20260713+nightly
codegen_flags: <defaults>
</compile_context>

<pallas_src>
import functools

import jax
import jax.numpy as jnp
from jax import lax
from jax.experimental import pallas as pl
from jax.experimental.pallas import tpu as pltpu
from jax.experimental.pallas import tpu_sc as plsc

_N = 10000
_E = 320000
_D = 128
_H = 16
_K = 8

_NC = 2
_NS = 16
_NW = _NC * _NS
_EW = _E // _NW
_C = 2000
_NCH = _EW // _C
_SUB = 400
_NSUB = _C // _SUB
_G = _C // 16


def _tables_body(h_ref, w1_ref, b1_ref, w2_ref, b2_ref, w3_ref,
                 a_ref, b_ref, w3b_ref):
    h1 = lax.dot_general(h_ref[...], w1_ref[...],
                         (((1,), (1,)), ((), ())),
                         preferred_element_type=jnp.float32) + b1_ref[...][None, :]
    w2 = w2_ref[...]
    a_ref[...] = lax.dot_general(h1, w2[:, :_H],
                                 (((1,), (1,)), ((), ())),
                                 preferred_element_type=jnp.float32) + b2_ref[...][None, :]
    b_ref[...] = lax.dot_general(h1, w2[:, _H:],
                                 (((1,), (1,)), ((), ())),
                                 preferred_element_type=jnp.float32)
    w3b_ref[...] = lax.dot_general(w3_ref[...], jnp.ones((1, 16), jnp.float32),
                                   (((0,), (0,)), ((), ())),
                                   preferred_element_type=jnp.float32)


_tables_call = pl.pallas_call(
    _tables_body,
    out_shape=[
        jax.ShapeDtypeStruct((_N, _K), jnp.float32),
        jax.ShapeDtypeStruct((_N, _K), jnp.float32),
        jax.ShapeDtypeStruct((_K, 16), jnp.float32),
    ],
)


def _edge_body(a_hbm, b_hbm, ei_hbm, w3_hbm, out_hbm,
               a_res, idx_s0, idx_s1, idx_d0, idx_d1,
               brows0, brows1, sco0, sco1, w3v,
               asem, isem, gsem, wsem):
    c = lax.axis_index("c")
    s = lax.axis_index("s")
    wid = s * _NC + c
    base = pl.multiple_of(wid * _EW, 256)

    pltpu.sync_copy(w3_hbm, w3v)
    iot = lax.iota(jnp.int32, 16)
    kd = [(iot + cc) & (_K - 1) for cc in range(_K)]
    w3d = [plsc.load_gather(w3v, [kd[cc], iot]) for cc in range(_K)]

    astage = pltpu.async_copy(a_hbm, a_res, asem)

    sbufs = [idx_s0, idx_s1]
    dbufs = [idx_d0, idx_d1]
    bbufs = [brows0, brows1]
    obufs = [sco0, sco1]

    def issue_idx(ch):
        b = ch % 2
        return (pltpu.async_copy(ei_hbm.at[0, pl.ds(base + ch * _C, _C)],
                                 sbufs[b], isem),
                pltpu.async_copy(ei_hbm.at[1, pl.ds(base + ch * _C, _C)],
                                 dbufs[b], isem))

    def issue_gathers(ch):
        b = ch % 2
        cps = []
        for j in range(_NSUB):
            cps.append(pltpu.async_copy(
                b_hbm.at[dbufs[b].at[pl.ds(j * _SUB, _SUB)]],
                bbufs[b].at[pl.ds(j * _SUB, _SUB)], gsem))
        return cps

    def compute(ch):
        b = ch % 2
        sb, br, sc = sbufs[b], bbufs[b], obufs[b]

        def group(g, gcarry):
            sv = sb[pl.ds(pl.multiple_of(g * 16, 16), 16)]
            rows = g * 16 + iot
            terms = []
            for cc in range(_K):
                av = plsc.load_gather(a_res, [sv, kd[cc]])
                bv = plsc.load_gather(br, [rows, kd[cc]])
                terms.append(jnp.maximum(av + bv, 0.0) * w3d[cc])
            t01 = terms[0] + terms[1]
            t23 = terms[2] + terms[3]
            t45 = terms[4] + terms[5]
            t67 = terms[6] + terms[7]
            sc[pl.ds(pl.multiple_of(g * 16, 16), 16)] = (t01 + t23) + (t45 + t67)
            return gcarry

        lax.fori_loop(0, _G, group, 0)
        return pltpu.async_copy(sc, out_hbm.at[pl.ds(base + ch * _C, _C)],
                                wsem)

    idxcp = {0: issue_idx(0)}
    for cp in idxcp[0]:
        cp.wait()
    gath = {0: issue_gathers(0)}
    idxcp[1] = issue_idx(1)
    astage.wait()

    writes = []
    for ch in range(_NCH):
        if ch + 1 < _NCH:
            for cp in idxcp[ch + 1]:
                cp.wait()
            gath[ch + 1] = issue_gathers(ch + 1)
        for cp in gath[ch]:
            cp.wait()
        if ch >= 2:
            writes[ch - 2].wait()
        writes.append(compute(ch))
        if ch + 2 < _NCH:
            idxcp[ch + 2] = issue_idx(ch + 2)
    writes[-2].wait()
    writes[-1].wait()


_edge_call = functools.partial(
    pl.kernel,
    out_type=jax.ShapeDtypeStruct((_E,), jnp.float32),
    mesh=plsc.VectorSubcoreMesh(core_axis_name="c", subcore_axis_name="s",
                                num_cores=_NC, num_subcores=_NS),
    compiler_params=pltpu.CompilerParams(
        needs_layout_passes=False, use_tc_tiling_on_sc=False),
    scratch_types=[
        pltpu.VMEM((_N, _K), jnp.float32),
        pltpu.VMEM((_C,), jnp.int32),
        pltpu.VMEM((_C,), jnp.int32),
        pltpu.VMEM((_C,), jnp.int32),
        pltpu.VMEM((_C,), jnp.int32),
        pltpu.VMEM((_C, _K), jnp.float32),
        pltpu.VMEM((_C, _K), jnp.float32),
        pltpu.VMEM((_C,), jnp.float32),
        pltpu.VMEM((_C,), jnp.float32),
        pltpu.VMEM((_K, 16), jnp.float32),
        pltpu.SemaphoreType.DMA,
        pltpu.SemaphoreType.DMA,
        pltpu.SemaphoreType.DMA,
        pltpu.SemaphoreType.DMA,
    ],
)(_edge_body)


def _norm_body(s_ref, o_ref):
    sv = s_ref[...]
    mn = jnp.min(sv)
    mx = jnp.max(sv)
    o_ref[...] = (sv - mn) / (mx - mn)


_norm_call = pl.pallas_call(
    _norm_body,
    out_shape=jax.ShapeDtypeStruct((_E,), jnp.float32),
)


def kernel(h, edge_index, W1, b1, W2, b2, W3, b3):
    a_tab, b_tab, w3b = _tables_call(h, W1, b1, W2, b2, W3)
    scores = _edge_call(a_tab, b_tab, edge_index, w3b)
    return _norm_call(scores).reshape(_E, 1)

# --- scband reference (transcript-rebuilt; emitter-appended) ---
"""Pipeline reference for scband-mlppredictor-45887430591130 (READ-ONLY COPY).

The authoritative reference and input builder live on the scoring server;
editing this copy changes nothing except your own understanding.
"""

import jax, jax.numpy as jnp
import numpy as np

N_NODES = 10000
N_EDGES = 320000
D_FEAT = 128


def setup_inputs(seed: int = 0) -> dict:
    key = jax.random.key(seed)
    ks = jax.random.split(key, 8)
    h = jax.random.normal(ks[0], (N_NODES, D_FEAT), dtype=jnp.float32)
    edge_index = jax.random.randint(ks[1], (2, N_EDGES), 0, N_NODES, dtype=jnp.int32)
    # Learned parameters (torch nn.Linear convention: y = x @ W.T + b)
    W1 = jax.random.normal(ks[2], (16, D_FEAT), dtype=jnp.float32) * (1.0 / np.sqrt(D_FEAT))
    b1 = jnp.zeros((16,), dtype=jnp.float32)
    W2 = jax.random.normal(ks[3], (8, 32), dtype=jnp.float32) * (1.0 / np.sqrt(32.0))
    b2 = jnp.zeros((8,), dtype=jnp.float32)
    W3 = jax.random.normal(ks[4], (1, 8), dtype=jnp.float32) * (1.0 / np.sqrt(8.0))
    b3 = jnp.zeros((1,), dtype=jnp.float32)
    return {"h": h, "edge_index": edge_index, "W1": W1, "b1": b1, "W2": W2, "b2": b2, "W3": W3, "b3": b3}


def reference(h, edge_index, W1, b1, W2, b2, W3, b3):
    # node MLP: h -> 16
    h1 = h @ W1.T + b1
    src = edge_index[0]
    dst = edge_index[1]
    # apply_edges: concat src/dst node features per edge -> [E, 32]
    s1 = jnp.concatenate([jnp.take(h1, src, axis=0), jnp.take(h1, dst, axis=0)], axis=1)
    s2 = s1 @ W2.T + b2
    score = jnp.maximum(s2, 0.0) @ W3.T + b3  # [E, 1]
    # min-max normalization over all edge scores (original detaches before this)
    mn = jnp.min(score)
    mx = jnp.max(score)
    return (score - mn) / (mx - mn)

if __name__ == "__main__":
    import jax
    _d = setup_inputs()
    print(jax.jit(kernel)(*tuple(_d.values())))

</pallas_src>

<mosaic_0001>
#map = affine_map<(d0, d1) -> (0, 0)>
#map1 = affine_map<(d0, d1) -> (0)>
module attributes {stable_mosaic.version = 14 : i64} {
  func.func @_edge_body(%arg0: i32, %arg1: i32, %arg2: memref<10000x8xf32, #tpu.memory_space<hbm>>, %arg3: memref<10000x8xf32, #tpu.memory_space<hbm>>, %arg4: memref<2x320000xi32, #tpu.memory_space<hbm>>, %arg5: memref<8x16xf32, #tpu.memory_space<hbm>>, %arg6: memref<320000xf32, #tpu.memory_space<hbm>>, %arg7: memref<10000x8xf32, #tpu.memory_space<vmem>>, %arg8: memref<2000xi32, #tpu.memory_space<vmem>>, %arg9: memref<2000xi32, #tpu.memory_space<vmem>>, %arg10: memref<2000xi32, #tpu.memory_space<vmem>>, %arg11: memref<2000xi32, #tpu.memory_space<vmem>>, %arg12: memref<2000x8xf32, #tpu.memory_space<vmem>>, %arg13: memref<2000x8xf32, #tpu.memory_space<vmem>>, %arg14: memref<2000xf32, #tpu.memory_space<vmem>>, %arg15: memref<2000xf32, #tpu.memory_space<vmem>>, %arg16: memref<8x16xf32, #tpu.memory_space<vmem>>, %arg17: memref<!tpu.dma_semaphore, #tpu.memory_space<semaphore_mem>>, %arg18: memref<!tpu.dma_semaphore, #tpu.memory_space<semaphore_mem>>, %arg19: memref<!tpu.dma_semaphore, #tpu.memory_space<semaphore_mem>>, %arg20: memref<!tpu.dma_semaphore, #tpu.memory_space<semaphore_mem>>) attributes {dimension_semantics = [#tpu.dimension_semantics<core_parallel>, #tpu.dimension_semantics<subcore_parallel>], iteration_bounds = array<i64: 2, 16>, scalar_prefetch = 0 : i64, scratch_operands = 14 : i64, tpu.core_type = #tpu.core_type<sc_vector_subcore>, window_params = [{transform_indices = #map}, {transform_indices = #map}, {transform_indices = #map}, {transform_indices = #map}, {transform_indices = #map1}]} {
    %mul3A = arith.constant 2 : i32
    %mul3A_0 = arith.muli %arg1, %mul3A : i32
    %add3A = arith.addi %mul3A_0, %arg0 : i32
    %mul3A_1 = arith.constant 10000 : i32
    %mul3A_2 = arith.muli %add3A, %mul3A_1 : i32
    %multiple_of3A = tpu.assume_multiple %mul3A_2, 256 : i32
    "tpu.region"() ({
      %run_scoped3A = tpu.sem_alloc : memref<!tpu.dma_semaphore, #tpu.memory_space<semaphore_mem>>
      tpu.enqueue_dma source(%arg5 : memref<8x16xf32, #tpu.memory_space<hbm>>) target(%arg16 : memref<8x16xf32, #tpu.memory_space<vmem>>) target_semaphore(%run_scoped3A : memref<!tpu.dma_semaphore, #tpu.memory_space<semaphore_mem>>)
      tpu.wait_dma2 semaphore(%run_scoped3A : memref<!tpu.dma_semaphore, #tpu.memory_space<semaphore_mem>>) src(%arg5 : memref<8x16xf32, #tpu.memory_space<hbm>>) dst(%arg16 : memref<8x16xf32, #tpu.memory_space<vmem>>)
      tpu.yield
    }) : () -> ()
    %iota3A = tpu.iota {dimensions = array<i32: 0>} : vector<16xi32>
    %add3A_3 = arith.constant 0 : i32
    %add3A_4 = vector.broadcast %add3A_3 : i32 to vector<16xi32>
    %add3A_5 = arith.addi %iota3A, %add3A_4 : vector<16xi32>
    %and3A = arith.constant 7 : i32
    %and3A_6 = vector.broadcast %and3A : i32 to vector<16xi32>
    %and3A_7 = arith.andi %add3A_5, %and3A_6 : vector<16xi32>
    %add3A_8 = arith.constant 1 : i32
    %add3A_9 = vector.broadcast %add3A_8 : i32 to vector<16xi32>
    %add3A_10 = arith.addi %iota3A, %add3A_9 : vector<16xi32>
    %and3A_11 = arith.constant 7 : i32
    %and3A_12 = vector.broadcast %and3A_11 : i32 to vector<16xi32>
    %and3A_13 = arith.andi %add3A_10, %and3A_12 : vector<16xi32>
    %add3A_14 = arith.constant 2 : i32
    %add3A_15 = vector.broadcast %add3A_14 : i32 to vector<16xi32>
    %add3A_16 = arith.addi %iota3A, %add3A_15 : vector<16xi32>
    %and3A_17 = arith.constant 7 : i32
    %and3A_18 = vector.broadcast %and3A_17 : i32 to vector<16xi32>
    %and3A_19 = arith.andi %add3A_16, %and3A_18 : vector<16xi32>
    %add3A_20 = arith.constant 3 : i32
    %add3A_21 = vector.broadcast %add3A_20 : i32 to vector<16xi32>
    %add3A_22 = arith.addi %iota3A, %add3A_21 : vector<16xi32>
    %and3A_23 = arith.constant 7 : i32
    %and3A_24 = vector.broadcast %and3A_23 : i32 to vector<16xi32>
    %and3A_25 = arith.andi %add3A_22, %and3A_24 : vector<16xi32>
    %add3A_26 = arith.constant 4 : i32
    %add3A_27 = vector.broadcast %add3A_26 : i32 to vector<16xi32>
    %add3A_28 = arith.addi %iota3A, %add3A_27 : vector<16xi32>
    %and3A_29 = arith.constant 7 : i32
    %and3A_30 = vector.broadcast %and3A_29 : i32 to vector<16xi32>
    %and3A_31 = arith.andi %add3A_28, %and3A_30 : vector<16xi32>
    %add3A_32 = arith.constant 5 : i32
    %add3A_33 = vector.broadcast %add3A_32 : i32 to vector<16xi32>
    %add3A_34 = arith.addi %iota3A, %add3A_33 : vector<16xi32>
    %and3A_35 = arith.constant 7 : i32
    %and3A_36 = vector.broadcast %and3A_35 : i32 to vector<16xi32>
    %and3A_37 = arith.andi %add3A_34, %and3A_36 : vector<16xi32>
    %add3A_38 = arith.constant 6 : i32
    %add3A_39 = vector.broadcast %add3A_38 : i32 to vector<16xi32>
    %add3A_40 = arith.addi %iota3A, %add3A_39 : vector<16xi32>
    %and3A_41 = arith.constant 7 : i32
    %and3A_42 = vector.broadcast %and3A_41 : i32 to vector<16xi32>
    %and3A_43 = arith.andi %add3A_40, %and3A_42 : vector<16xi32>
    %add3A_44 = arith.constant 7 : i32
    %add3A_45 = vector.broadcast %add3A_44 : i32 to vector<16xi32>
    %add3A_46 = arith.addi %iota3A, %add3A_45 : vector<16xi32>
    %and3A_47 = arith.constant 7 : i32
    %and3A_48 = vector.broadcast %and3A_47 : i32 to vector<16xi32>
    %and3A_49 = arith.andi %add3A_46, %and3A_48 : vector<16xi32>
    %gather3A = tpu.vector_load_idx %arg16[%and3A_7, %iota3A] : memref<8x16xf32, #tpu.memory_space<vmem>>[vector<16xi32>, vector<16xi32>], vector<16xf32>,
    %gather3A_50 = tpu.vector_load_idx %arg16[%and3A_13, %iota3A] : memref<8x16xf32, #tpu.memory_space<vmem>>[vector<16xi32>, vector<16xi32>], vector<16xf32>,
    %gather3A_51 = tpu.vector_load_idx %arg16[%and3A_19, %iota3A] : memref<8x16xf32, #tpu.memory_space<vmem>>[vector<16xi32>, vector<16xi32>], vector<16xf32>,
    %gather3A_52 = tpu.vector_load_idx %arg16[%and3A_25, %iota3A] : memref<8x16xf32, #tpu.memory_space<vmem>>[vector<16xi32>, vector<16xi32>], vector<16xf32>,
    %gather3A_53 = tpu.vector_load_idx %arg16[%and3A_31, %iota3A] : memref<8x16xf32, #tpu.memory_space<vmem>>[vector<16xi32>, vector<16xi32>], vector<16xf32>,
    %gather3A_54 = tpu.vector_load_idx %arg16[%and3A_37, %iota3A] : memref<8x16xf32, #tpu.memory_space<vmem>>[vector<16xi32>, vector<16xi32>], vector<16xf32>,
    %gather3A_55 = tpu.vector_load_idx %arg16[%and3A_43, %iota3A] : memref<8x16xf32, #tpu.memory_space<vmem>>[vector<16xi32>, vector<16xi32>], vector<16xf32>,
    %gather3A_56 = tpu.vector_load_idx %arg16[%and3A_49, %iota3A] : memref<8x16xf32, #tpu.memory_space<vmem>>[vector<16xi32>, vector<16xi32>], vector<16xf32>,
    tpu.enqueue_dma source(%arg2 : memref<10000x8xf32, #tpu.memory_space<hbm>>) target(%arg7 : memref<10000x8xf32, #tpu.memory_space<vmem>>) target_semaphore(%arg17 : memref<!tpu.dma_semaphore, #tpu.memory_space<semaphore_mem>>)
    %add3A_57 = arith.constant 0 : i32
    %add3A_58 = arith.addi %multiple_of3A, %add3A_57 : i32
    %dma_start3A = arith.constant 0 : i32
    %dma_start3A_59 = tpu.memref_slice %arg4[%dma_start3A, %add3A_58] : memref<2x320000xi32, #tpu.memory_space<hbm>> -> memref<1x2000xi32, #tpu.memory_space<hbm>>
    %dma_start3A_60 = tpu.memref_squeeze %dma_start3A_59 : memref<1x2000xi32, #tpu.memory_space<hbm>> -> memref<2000xi32, #tpu.memory_space<hbm>>
    %dma_start3A_61 = tpu.memref_slice %arg4[%dma_start3A, %add3A_58] : memref<2x320000xi32, #tpu.memory_space<hbm>> -> memref<1x2000xi32, #tpu.memory_space<hbm>>
    %dma_start3A_62 = tpu.memref_squeeze %dma_start3A_61 : memref<1x2000xi32, #tpu.memory_space<hbm>> -> memref<2000xi32, #tpu.memory_space<hbm>>
    tpu.enqueue_dma source(%dma_start3A_62 : memref<2000xi32, #tpu.memory_space<hbm>>) target(%arg8 : memref<2000xi32, #tpu.memory_space<vmem>>) target_semaphore(%arg18 : memref<!tpu.dma_semaphore, #tpu.memory_space<semaphore_mem>>)
    %add3A_63 = arith.constant 0 : i32
    %add3A_64 = arith.addi %multiple_of3A, %add3A_63 : i32
    %dma_start3A_65 = arith.constant 1 : i32
    %dma_start3A_66 = tpu.memref_slice %arg4[%dma_start3A_65, %add3A_64] : memref<2x320000xi32, #tpu.memory_space<hbm>> -> memref<1x2000xi32, #tpu.memory_space<hbm>>
    %dma_start3A_67 = tpu.memref_squeeze %dma_start3A_66 : memref<1x2000xi32, #tpu.memory_space<hbm>> -> memref<2000xi32, #tpu.memory_space<hbm>>
    %dma_start3A_68 = tpu.memref_slice %arg4[%dma_start3A_65, %add3A_64] : memref<2x320000xi32, #tpu.memory_space<hbm>> -> memref<1x2000xi32, #tpu.memory_space<hbm>>
    %dma_start3A_69 = tpu.memref_squeeze %dma_start3A_68 : memref<1x2000xi32, #tpu.memory_space<hbm>> -> memref<2000xi32, #tpu.memory_space<hbm>>
    tpu.enqueue_dma source(%dma_start3A_69 : memref<2000xi32, #tpu.memory_space<hbm>>) target(%arg10 : memref<2000xi32, #tpu.memory_space<vmem>>) target_semaphore(%arg18 : memref<!tpu.dma_semaphore, #tpu.memory_space<semaphore_mem>>)
    %dma_wait3A = arith.constant 0 : i32
    %dma_wait3A_70 = tpu.memref_slice %arg4[%dma_wait3A, %add3A_58] : memref<2x320000xi32, #tpu.memory_space<hbm>> -> memref<1x2000xi32, #tpu.memory_space<hbm>>
    %dma_wait3A_71 = tpu.memref_squeeze %dma_wait3A_70 : memref<1x2000xi32, #tpu.memory_space<hbm>> -> memref<2000xi32, #tpu.memory_space<hbm>>
    %dma_wait3A_72 = tpu.memref_slice %arg4[%dma_wait3A, %add3A_58] : memref<2x320000xi32, #tpu.memory_space<hbm>> -> memref<1x2000xi32, #tpu.memory_space<hbm>>
    %dma_wait3A_73 = tpu.memref_squeeze %dma_wait3A_72 : memref<1x2000xi32, #tpu.memory_space<hbm>> -> memref<2000xi32, #tpu.memory_space<hbm>>
    tpu.wait_dma2 semaphore(%arg18 : memref<!tpu.dma_semaphore, #tpu.memory_space<semaphore_mem>>) src(%dma_wait3A_73 : memref<2000xi32, #tpu.memory_space<hbm>>) dst(%arg8 : memref<2000xi32, #tpu.memory_space<vmem>>)
    %dma_wait3A_74 = arith.constant 1 : i32
    %dma_wait3A_75 = tpu.memref_slice %arg4[%dma_wait3A_74, %add3A_64] : memref<2x320000xi32, #tpu.memory_space<hbm>> -> memref<1x2000xi32, #tpu.memory_space<hbm>>
    %dma_wait3A_76 = tpu.memref_squeeze %dma_wait3A_75 : memref<1x2000xi32, #tpu.memory_space<hbm>> -> memref<2000xi32, #tpu.memory_space<hbm>>
    %dma_wait3A_77 = tpu.memref_slice %arg4[%dma_wait3A_74, %add3A_64] : memref<2x320000xi32, #tpu.memory_space<hbm>> -> memref<1x2000xi32, #tpu.memory_space<hbm>>
    %dma_wait3A_78 = tpu.memref_squeeze %dma_wait3A_77 : memref<1x2000xi32, #tpu.memory_space<hbm>> -> memref<2000xi32, #tpu.memory_space<hbm>>
    tpu.wait_dma2 semaphore(%arg18 : memref<!tpu.dma_semaphore, #tpu.memory_space<semaphore_mem>>) src(%dma_wait3A_78 : memref<2000xi32, #tpu.memory_space<hbm>>) dst(%arg10 : memref<2000xi32, #tpu.memory_space<vmem>>)
    %dma_start3A_79 = arith.constant 0 : i32
    %dma_start3A_80 = arith.constant 0 : i32
    %dma_start3A_81 = tpu.memref_slice %arg12[%dma_start3A_79, %dma_start3A_80] : memref<2000x8xf32, #tpu.memory_space<vmem>> -> memref<400x8xf32, #tpu.memory_space<vmem>>
    %dma_start3A_82 = arith.constant 0 : i32
    %dma_start3A_83 = tpu.memref_slice %arg10[%dma_start3A_82] : memref<2000xi32, #tpu.memory_space<vmem>> -> memref<400xi32, #tpu.memory_space<vmem>>
    %dma_start3A_84 = arith.constant 0 : i32
    %dma_start3A_85 = arith.constant 0 : i32
    %dma_start3A_86 = tpu.memref_slice %arg3[%dma_start3A_84, %dma_start3A_85] : memref<10000x8xf32, #tpu.memory_space<hbm>> -> memref<10000x8xf32, #tpu.memory_space<hbm>>
    tpu.enqueue_indirect_dma source(%dma_start3A_86 : memref<10000x8xf32, #tpu.memory_space<hbm>>) target(%dma_start3A_81 : memref<400x8xf32, #tpu.memory_space<vmem>>) offsets(%dma_start3A_83 : memref<400xi32, #tpu.memory_space<vmem>>) semaphore(%arg19 : memref<!tpu.dma_semaphore, #tpu.memory_space<semaphore_mem>>)
    %dma_start3A_87 = arith.constant 400 : i32
    %dma_start3A_88 = arith.constant 0 : i32
    %dma_start3A_89 = tpu.memref_slice %arg12[%dma_start3A_87, %dma_start3A_88] : memref<2000x8xf32, #tpu.memory_space<vmem>> -> memref<400x8xf32, #tpu.memory_space<vmem>>
    %dma_start3A_90 = arith.constant 400 : i32
    %dma_start3A_91 = tpu.memref_slice %arg10[%dma_start3A_90] : memref<2000xi32, #tpu.memory_space<vmem>> -> memref<400xi32, #tpu.memory_space<vmem>>
    %dma_start3A_92 = arith.constant 0 : i32
    %dma_start3A_93 = arith.constant 0 : i32
    %dma_start3A_94 = tpu.memref_slice %arg3[%dma_start3A_92, %dma_start3A_93] : memref<10000x8xf32, #tpu.memory_space<hbm>> -> memref<10000x8xf32, #tpu.memory_space<hbm>>
    tpu.enqueue_indirect_dma source(%dma_start3A_94 : memref<10000x8xf32, #tpu.memory_space<hbm>>) target(%dma_start3A_89 : memref<400x8xf32, #tpu.memory_space<vmem>>) offsets(%dma_start3A_91 : memref<400xi32, #tpu.memory_space<vmem>>) semaphore(%arg19 : memref<!tpu.dma_semaphore, #tpu.memory_space<semaphore_mem>>)
    %dma_start3A_95 = arith.constant 800 : i32
    %dma_start3A_96 = arith.constant 0 : i32
    %dma_start3A_97 = tpu.memref_slice %arg12[%dma_start3A_95, %dma_start3A_96] : memref<2000x8xf32, #tpu.memory_space<vmem>> -> memref<400x8xf32, #tpu.memory_space<vmem>>
    %dma_start3A_98 = arith.constant 800 : i32
    %dma_start3A_99 = tpu.memref_slice %arg10[%dma_start3A_98] : memref<2000xi32, #tpu.memory_space<vmem>> -> memref<400xi32, #tpu.memory_space<vmem>>
    %dma_start3A_100 = arith.constant 0 : i32
    %dma_start3A_101 = arith.constant 0 : i32
    %dma_start3A_102 = tpu.memref_slice %arg3[%dma_start3A_100, %dma_start3A_101] : memref<10000x8xf32, #tpu.memory_space<hbm>> -> memref<10000x8xf32, #tpu.memory_space<hbm>>
    tpu.enqueue_indirect_dma source(%dma_start3A_102 : memref<10000x8xf32, #tpu.memory_space<hbm>>) target(%dma_start3A_97 : memref<400x8xf32, #tpu.memory_space<vmem>>) offsets(%dma_start3A_99 : memref<400xi32, #tpu.memory_space<vmem>>) semaphore(%arg19 : memref<!tpu.dma_semaphore, #tpu.memory_space<semaphore_mem>>)
    %dma_start3A_103 = arith.constant 1200 : i32
    %dma_start3A_104 = arith.constant 0 : i32
    %dma_start3A_105 = tpu.memref_slice %arg12[%dma_start3A_103, %dma_start3A_104] : memref<2000x8xf32, #tpu.memory_space<vmem>> -> memref<400x8xf32, #tpu.memory_space<vmem>>
    %dma_start3A_106 = arith.constant 1200 : i32
    %dma_start3A_107 = tpu.memref_slice %arg10[%dma_start3A_106] : memref<2000xi32, #tpu.memory_space<vmem>> -> memref<400xi32, #tpu.memory_space<vmem>>
    %dma_start3A_108 = arith.constant 0 : i32
    %dma_start3A_109 = arith.constant 0 : i32
    %dma_start3A_110 = tpu.memref_slice %arg3[%dma_start3A_108, %dma_start3A_109] : memref<10000x8xf32, #tpu.memory_space<hbm>> -> memref<10000x8xf32, #tpu.memory_space<hbm>>
    tpu.enqueue_indirect_dma source(%dma_start3A_110 : memref<10000x8xf32, #tpu.memory_space<hbm>>) target(%dma_start3A_105 : memref<400x8xf32, #tpu.memory_space<vmem>>) offsets(%dma_start3A_107 : memref<400xi32, #tpu.memory_space<vmem>>) semaphore(%arg19 : memref<!tpu.dma_semaphore, #tpu.memory_space<semaphore_mem>>)
    %dma_start3A_111 = arith.constant 1600 : i32
    %dma_start3A_112 = arith.constant 0 : i32
    %dma_start3A_113 = tpu.memref_slice %arg12[%dma_start3A_111, %dma_start3A_112] : memref<2000x8xf32, #tpu.memory_space<vmem>> -> memref<400x8xf32, #tpu.memory_space<vmem>>
    %dma_start3A_114 = arith.constant 1600 : i32
    %dma_start3A_115 = tpu.memref_slice %arg10[%dma_start3A_114] : memref<2000xi32, #tpu.memory_space<vmem>> -> memref<400xi32, #tpu.memory_space<vmem>>
    %dma_start3A_116 = arith.constant 0 : i32
    %dma_start3A_117 = arith.constant 0 : i32
    %dma_start3A_118 = tpu.memref_slice %arg3[%dma_start3A_116, %dma_start3A_117] : memref<10000x8xf32, #tpu.memory_space<hbm>> -> memref<10000x8xf32, #tpu.memory_space<hbm>>
    tpu.enqueue_indirect_dma source(%dma_start3A_118 : memref<10000x8xf32, #tpu.memory_space<hbm>>) target(%dma_start3A_113 : memref<400x8xf32, #tpu.memory_space<vmem>>) offsets(%dma_start3A_115 : memref<400xi32, #tpu.memory_space<vmem>>) semaphore(%arg19 : memref<!tpu.dma_semaphore, #tpu.memory_space<semaphore_mem>>)
    %add3A_119 = arith.constant 2000 : i32
    %add3A_120 = arith.addi %multiple_of3A, %add3A_119 : i32
    %dma_start3A_121 = arith.constant 0 : i32
    %dma_start3A_122 = tpu.memref_slice %arg4[%dma_start3A_121, %add3A_120] : memref<2x320000xi32, #tpu.memory_space<hbm>> -> memref<1x2000xi32, #tpu.memory_space<hbm>>
    %dma_start3A_123 = tpu.memref_squeeze %dma_start3A_122 : memref<1x2000xi32, #tpu.memory_space<hbm>> -> memref<2000xi32, #tpu.memory_space<hbm>>
    %dma_start3A_124 = tpu.memref_slice %arg4[%dma_start3A_121, %add3A_120] : memref<2x320000xi32, #tpu.memory_space<hbm>> -> memref<1x2000xi32, #tpu.memory_space<hbm>>
    %dma_start3A_125 = tpu.memref_squeeze %dma_start3A_124 : memref<1x2000xi32, #tpu.memory_space<hbm>> -> memref<2000xi32, #tpu.memory_space<hbm>>
    tpu.enqueue_dma source(%dma_start3A_125 : memref<2000xi32, #tpu.memory_space<hbm>>) target(%arg9 : memref<2000xi32, #tpu.memory_space<vmem>>) target_semaphore(%arg18 : memref<!tpu.dma_semaphore, #tpu.memory_space<semaphore_mem>>)
    %add3A_126 = arith.constant 2000 : i32
    %add3A_127 = arith.addi %multiple_of3A, %add3A_126 : i32
    %dma_start3A_128 = arith.constant 1 : i32
    %dma_start3A_129 = tpu.memref_slice %arg4[%dma_start3A_128, %add3A_127] : memref<2x320000xi32, #tpu.memory_space<hbm>> -> memref<1x2000xi32, #tpu.memory_space<hbm>>
    %dma_start3A_130 = tpu.memref_squeeze %dma_start3A_129 : memref<1x2000xi32, #tpu.memory_space<hbm>> -> memref<2000xi32, #tpu.memory_space<hbm>>
    %dma_start3A_131 = tpu.memref_slice %arg4[%dma_start3A_128, %add3A_127] : memref<2x320000xi32, #tpu.memory_space<hbm>> -> memref<1x2000xi32, #tpu.memory_space<hbm>>
    %dma_start3A_132 = tpu.memref_squeeze %dma_start3A_131 : memref<1x2000xi32, #tpu.memory_space<hbm>> -> memref<2000xi32, #tpu.memory_space<hbm>>
    tpu.enqueue_dma source(%dma_start3A_132 : memref<2000xi32, #tpu.memory_space<hbm>>) target(%arg11 : memref<2000xi32, #tpu.memory_space<vmem>>) target_semaphore(%arg18 : memref<!tpu.dma_semaphore, #tpu.memory_space<semaphore_mem>>)
    tpu.wait_dma2 semaphore(%arg17 : memref<!tpu.dma_semaphore, #tpu.memory_space<semaphore_mem>>) src(%arg2 : memref<10000x8xf32, #tpu.memory_space<hbm>>) dst(%arg7 : memref<10000x8xf32, #tpu.memory_space<vmem>>)
    %dma_wait3A_133 = arith.constant 0 : i32
    %dma_wait3A_134 = tpu.memref_slice %arg4[%dma_wait3A_133, %add3A_120] : memref<2x320000xi32, #tpu.memory_space<hbm>> -> memref<1x2000xi32, #tpu.memory_space<hbm>>
    %dma_wait3A_135 = tpu.memref_squeeze %dma_wait3A_134 : memref<1x2000xi32, #tpu.memory_space<hbm>> -> memref<2000xi32, #tpu.memory_space<hbm>>
    %dma_wait3A_136 = tpu.memref_slice %arg4[%dma_wait3A_133, %add3A_120] : memref<2x320000xi32, #tpu.memory_space<hbm>> -> memref<1x2000xi32, #tpu.memory_space<hbm>>
    %dma_wait3A_137 = tpu.memref_squeeze %dma_wait3A_136 : memref<1x2000xi32, #tpu.memory_space<hbm>> -> memref<2000xi32, #tpu.memory_space<hbm>>
    tpu.wait_dma2 semaphore(%arg18 : memref<!tpu.dma_semaphore, #tpu.memory_space<semaphore_mem>>) src(%dma_wait3A_137 : memref<2000xi32, #tpu.memory_space<hbm>>) dst(%arg9 : memref<2000xi32, #tpu.memory_space<vmem>>)
    %dma_wait3A_138 = arith.constant 1 : i32
    %dma_wait3A_139 = tpu.memref_slice %arg4[%dma_wait3A_138, %add3A_127] : memref<2x320000xi32, #tpu.memory_space<hbm>> -> memref<1x2000xi32, #tpu.memory_space<hbm>>
    %dma_wait3A_140 = tpu.memref_squeeze %dma_wait3A_139 : memref<1x2000xi32, #tpu.memory_space<hbm>> -> memref<2000xi32, #tpu.memory_space<hbm>>
    %dma_wait3A_141 = tpu.memref_slice %arg4[%dma_wait3A_138, %add3A_127] : memref<2x320000xi32, #tpu.memory_space<hbm>> -> memref<1x2000xi32, #tpu.memory_space<hbm>>
    %dma_wait3A_142 = tpu.memref_squeeze %dma_wait3A_141 : memref<1x2000xi32, #tpu.memory_space<hbm>> -> memref<2000xi32, #tpu.memory_space<hbm>>
    tpu.wait_dma2 semaphore(%arg18 : memref<!tpu.dma_semaphore, #tpu.memory_space<semaphore_mem>>) src(%dma_wait3A_142 : memref<2000xi32, #tpu.memory_space<hbm>>) dst(%arg11 : memref<2000xi32, #tpu.memory_space<vmem>>)
    %dma_start3A_143 = arith.constant 0 : i32
    %dma_start3A_144 = arith.constant 0 : i32
    %dma_start3A_145 = tpu.memref_slice %arg13[%dma_start3A_143, %dma_start3A_144] : memref<2000x8xf32, #tpu.memory_space<vmem>> -> memref<400x8xf32, #tpu.memory_space<vmem>>
    %dma_start3A_146 = arith.constant 0 : i32
    %dma_start3A_147 = tpu.memref_slice %arg11[%dma_start3A_146] : memref<2000xi32, #tpu.memory_space<vmem>> -> memref<400xi32, #tpu.memory_space<vmem>>
    %dma_start3A_148 = arith.constant 0 : i32
    %dma_start3A_149 = arith.constant 0 : i32
    %dma_start3A_150 = tpu.memref_slice %arg3[%dma_start3A_148, %dma_start3A_149] : memref<10000x8xf32, #tpu.memory_space<hbm>> -> memref<10000x8xf32, #tpu.memory_space<hbm>>
    tpu.enqueue_indirect_dma source(%dma_start3A_150 : memref<10000x8xf32, #tpu.memory_space<hbm>>) target(%dma_start3A_145 : memref<400x8xf32, #tpu.memory_space<vmem>>) offsets(%dma_start3A_147 : memref<400xi32, #tpu.memory_space<vmem>>) semaphore(%arg19 : memref<!tpu.dma_semaphore, #tpu.memory_space<semaphore_mem>>)
    %dma_start3A_151 = arith.constant 400 : i32
    %dma_start3A_152 = arith.constant 0 : i32
    %dma_start3A_153 = tpu.memref_slice %arg13[%dma_start3A_151, %dma_start3A_152] : memref<2000x8xf32, #tpu.memory_space<vmem>> -> memref<400x8xf32, #tpu.memory_space<vmem>>
    %dma_start3A_154 = arith.constant 400 : i32
    %dma_start3A_155 = tpu.memref_slice %arg11[%dma_start3A_154] : memref<2000xi32, #tpu.memory_space<vmem>> -> memref<400xi32, #tpu.memory_space<vmem>>
    %dma_start3A_156 = arith.constant 0 : i32
    %dma_start3A_157 = arith.constant 0 : i32
    %dma_start3A_158 = tpu.memref_slice %arg3[%dma_start3A_156, %dma_start3A_157] : memref<10000x8xf32, #tpu.memory_space<hbm>> -> memref<10000x8xf32, #tpu.memory_space<hbm>>
    tpu.enqueue_indirect_dma source(%dma_start3A_158 : memref<10000x8xf32, #tpu.memory_space<hbm>>) target(%dma_start3A_153 : memref<400x8xf32, #tpu.memory_space<vmem>>) offsets(%dma_start3A_155 : memref<400xi32, #tpu.memory_space<vmem>>) semaphore(%arg19 : memref<!tpu.dma_semaphore, #tpu.memory_space<semaphore_mem>>)
    %dma_start3A_159 = arith.constant 800 : i32
    %dma_start3A_160 = arith.constant 0 : i32
    %dma_start3A_161 = tpu.memref_slice %arg13[%dma_start3A_159, %dma_start3A_160] : memref<2000x8xf32, #tpu.memory_space<vmem>> -> memref<400x8xf32, #tpu.memory_space<vmem>>
    %dma_start3A_162 = arith.constant 800 : i32
    %dma_start3A_163 = tpu.memref_slice %arg11[%dma_start3A_162] : memref<2000xi32, #tpu.memory_space<vmem>> -> memref<400xi32, #tpu.memory_space<vmem>>
    %dma_start3A_164 = arith.constant 0 : i32
    %dma_start3A_165 = arith.constant 0 : i32
    %dma_start3A_166 = tpu.memref_slice %arg3[%dma_start3A_164, %dma_start3A_165] : memref<10000x8xf32, #tpu.memory_space<hbm>> -> memref<10000x8xf32, #tpu.memory_space<hbm>>
    tpu.enqueue_indirect_dma source(%dma_start3A_166 : memref<10000x8xf32, #tpu.memory_space<hbm>>) target(%dma_start3A_161 : memref<400x8xf32, #tpu.memory_space<vmem>>) offsets(%dma_start3A_163 : memref<400xi32, #tpu.memory_space<vmem>>) semaphore(%arg19 : memref<!tpu.dma_semaphore, #tpu.memory_space<semaphore_mem>>)
    %dma_start3A_167 = arith.constant 1200 : i32
    %dma_start3A_168 = arith.constant 0 : i32
    %dma_start3A_169 = tpu.memref_slice %arg13[%dma_start3A_167, %dma_start3A_168] : memref<2000x8xf32, #tpu.memory_space<vmem>> -> memref<400x8xf32, #tpu.memory_space<vmem>>
    %dma_start3A_170 = arith.constant 1200 : i32
    %dma_start3A_171 = tpu.memref_slice %arg11[%dma_start3A_170] : memref<2000xi32, #tpu.memory_space<vmem>> -> memref<400xi32, #tpu.memory_space<vmem>>
    %dma_start3A_172 = arith.constant 0 : i32
    %dma_start3A_173 = arith.constant 0 : i32
    %dma_start3A_174 = tpu.memref_slice %arg3[%dma_start3A_172, %dma_start3A_173] : memref<10000x8xf32, #tpu.memory_space<hbm>> -> memref<10000x8xf32, #tpu.memory_space<hbm>>
    tpu.enqueue_indirect_dma source(%dma_start3A_174 : memref<10000x8xf32, #tpu.memory_space<hbm>>) target(%dma_start3A_169 : memref<400x8xf32, #tpu.memory_space<vmem>>) offsets(%dma_start3A_171 : memref<400xi32, #tpu.memory_space<vmem>>) semaphore(%arg19 : memref<!tpu.dma_semaphore, #tpu.memory_space<semaphore_mem>>)
    %dma_start3A_175 = arith.constant 1600 : i32
    %dma_start3A_176 = arith.constant 0 : i32
    %dma_start3A_177 = tpu.memref_slice %arg13[%dma_start3A_175, %dma_start3A_176] : memref<2000x8xf32, #tpu.memory_space<vmem>> -> memref<400x8xf32, #tpu.memory_space<vmem>>
    %dma_start3A_178 = arith.constant 1600 : i32
    %dma_start3A_179 = tpu.memref_slice %arg11[%dma_start3A_178] : memref<2000xi32, #tpu.memory_space<vmem>> -> memref<400xi32, #tpu.memory_space<vmem>>
    %dma_start3A_180 = arith.constant 0 : i32
    %dma_start3A_181 = arith.constant 0 : i32
    %dma_start3A_182 = tpu.memref_slice %arg3[%dma_start3A_180, %dma_start3A_181] : memref<10000x8xf32, #tpu.memory_space<hbm>> -> memref<10000x8xf32, #tpu.memory_space<hbm>>
    tpu.enqueue_indirect_dma source(%dma_start3A_182 : memref<10000x8xf32, #tpu.memory_space<hbm>>) target(%dma_start3A_177 : memref<400x8xf32, #tpu.memory_space<vmem>>) offsets(%dma_start3A_179 : memref<400xi32, #tpu.memory_space<vmem>>) semaphore(%arg19 : memref<!tpu.dma_semaphore, #tpu.memory_space<semaphore_mem>>)
    %dma_wait3A_183 = arith.constant 0 : i32
    %dma_wait3A_184 = arith.constant 0 : i32
    %dma_wait3A_185 = tpu.memref_slice %arg12[%dma_wait3A_183, %dma_wait3A_184] : memref<2000x8xf32, #tpu.memory_space<vmem>> -> memref<400x8xf32, #tpu.memory_space<vmem>>
    %dma_wait3A_186 = arith.constant 0 : i32
    %dma_wait3A_187 = tpu.memref_slice %arg10[%dma_wait3A_186] : memref<2000xi32, #tpu.memory_space<vmem>> -> memref<400xi32, #tpu.memory_space<vmem>>
    %dma_wait3A_188 = arith.constant 0 : i32
    %dma_wait3A_189 = arith.constant 0 : i32
    %dma_wait3A_190 = tpu.memref_slice %arg3[%dma_wait3A_188, %dma_wait3A_189] : memref<10000x8xf32, #tpu.memory_space<hbm>> -> memref<10000x8xf32, #tpu.memory_space<hbm>>
    tpu.wait_indirect_dma semaphore(%arg19 : memref<!tpu.dma_semaphore, #tpu.memory_space<semaphore_mem>>) src(%dma_wait3A_190 : memref<10000x8xf32, #tpu.memory_space<hbm>>) dst(%dma_wait3A_185 : memref<400x8xf32, #tpu.memory_space<vmem>>)
    %dma_wait3A_191 = arith.constant 400 : i32
    %dma_wait3A_192 = arith.constant 0 : i32
    %dma_wait3A_193 = tpu.memref_slice %arg12[%dma_wait3A_191, %dma_wait3A_192] : memref<2000x8xf32, #tpu.memory_space<vmem>> -> memref<400x8xf32, #tpu.memory_space<vmem>>
    %dma_wait3A_194 = arith.constant 400 : i32
    %dma_wait3A_195 = tpu.memref_slice %arg10[%dma_wait3A_194] : memref<2000xi32, #tpu.memory_space<vmem>> -> memref<400xi32, #tpu.memory_space<vmem>>
    %dma_wait3A_196 = arith.constant 0 : i32
    %dma_wait3A_197 = arith.constant 0 : i32
    %dma_wait3A_198 = tpu.memref_slice %arg3[%dma_wait3A_196, %dma_wait3A_197] : memref<10000x8xf32, #tpu.memory_space<hbm>> -> memref<10000x8xf32, #tpu.memory_space<hbm>>
    tpu.wait_indirect_dma semaphore(%arg19 : memref<!tpu.dma_semaphore, #tpu.memory_space<semaphore_mem>>) src(%dma_wait3A_198 : memref<10000x8xf32, #tpu.memory_space<hbm>>) dst(%dma_wait3A_193 : memref<400x8xf32, #tpu.memory_space<vmem>>)
    %dma_wait3A_199 = arith.constant 800 : i32
    %dma_wait3A_200 = arith.constant 0 : i32
    %dma_wait3A_201 = tpu.memref_slice %arg12[%dma_wait3A_199, %dma_wait3A_200] : memref<2000x8xf32, #tpu.memory_space<vmem>> -> memref<400x8xf32, #tpu.memory_space<vmem>>
    %dma_wait3A_202 = arith.constant 800 : i32
    %dma_wait3A_203 = tpu.memref_slice %arg10[%dma_wait3A_202] : memref<2000xi32, #tpu.memory_space<vmem>> -> memref<400xi32, #tpu.memory_space<vmem>>
    %dma_wait3A_204 = arith.constant 0 : i32
    %dma_wait3A_205 = arith.constant 0 : i32
    %dma_wait3A_206 = tpu.memref_slice %arg3[%dma_wait3A_204, %dma_wait3A_205] : memref<10000x8xf32, #tpu.memory_space<hbm>> -> memref<10000x8xf32, #tpu.memory_space<hbm>>
    tpu.wait_indirect_dma semaphore(%arg19 : memref<!tpu.dma_semaphore, #tpu.memory_space<semaphore_mem>>) src(%dma_wait3A_206 : memref<10000x8xf32, #tpu.memory_space<hbm>>) dst(%dma_wait3A_201 : memref<400x8xf32, #tpu.memory_space<vmem>>)
    %dma_wait3A_207 = arith.constant 1200 : i32
    %dma_wait3A_208 = arith.constant 0 : i32
    %dma_wait3A_209 = tpu.memref_slice %arg12[%dma_wait3A_207, %dma_wait3A_208] : memref<2000x8xf32, #tpu.memory_space<vmem>> -> memref<400x8xf32, #tpu.memory_space<vmem>>
    %dma_wait3A_210 = arith.constant 1200 : i32
    %dma_wait3A_211 = tpu.memref_slice %arg10[%dma_wait3A_210] : memref<2000xi32, #tpu.memory_space<vmem>> -> memref<400xi32, #tpu.memory_space<vmem>>
    %dma_wait3A_212 = arith.constant 0 : i32
    %dma_wait3A_213 = arith.constant 0 : i32
    %dma_wait3A_214 = tpu.memref_slice %arg3[%dma_wait3A_212, %dma_wait3A_213] : memref<10000x8xf32, #tpu.memory_space<hbm>> -> memref<10000x8xf32, #tpu.memory_space<hbm>>
    tpu.wait_indirect_dma semaphore(%arg19 : memref<!tpu.dma_semaphore, #tpu.memory_space<semaphore_mem>>) src(%dma_wait3A_214 : memref<10000x8xf32, #tpu.memory_space<hbm>>) dst(%dma_wait3A_209 : memref<400x8xf32, #tpu.memory_space<vmem>>)
    %dma_wait3A_215 = arith.constant 1600 : i32
    %dma_wait3A_216 = arith.constant 0 : i32
    %dma_wait3A_217 = tpu.memref_slice %arg12[%dma_wait3A_215, %dma_wait3A_216] : memref<2000x8xf32, #tpu.memory_space<vmem>> -> memref<400x8xf32, #tpu.memory_space<vmem>>
    %dma_wait3A_218 = arith.constant 1600 : i32
    %dma_wait3A_219 = tpu.memref_slice %arg10[%dma_wait3A_218] : memref<2000xi32, #tpu.memory_space<vmem>> -> memref<400xi32, #tpu.memory_space<vmem>>
    %dma_wait3A_220 = arith.constant 0 : i32
    %dma_wait3A_221 = arith.constant 0 : i32
    %dma_wait3A_222 = tpu.memref_slice %arg3[%dma_wait3A_220, %dma_wait3A_221] : memref<10000x8xf32, #tpu.memory_space<hbm>> -> memref<10000x8xf32, #tpu.memory_space<hbm>>
    tpu.wait_indirect_dma semaphore(%arg19 : memref<!tpu.dma_semaphore, #tpu.memory_space<semaphore_mem>>) src(%dma_wait3A_222 : memref<10000x8xf32, #tpu.memory_space<hbm>>) dst(%dma_wait3A_217 : memref<400x8xf32, #tpu.memory_space<vmem>>)
    %scan3A = arith.constant 0 : i32
    %scan3A_223 = arith.constant 0 : i32
    %scan3A_224 = arith.constant 125 : i32
    %scan3A_225 = arith.addi %scan3A_223, %scan3A_224 : i32
    %scan3A_226 = arith.constant 1 : i32
    scf.for %scan3A_634 = %scan3A_223 to %scan3A_225 step %scan3A_226  : i32 {
      %mul3A_635 = arith.constant 16 : i32
      %mul3A_636 = arith.muli %scan3A_634, %mul3A_635 : i32
      %multiple_of3A_637 = tpu.assume_multiple %mul3A_636, 16 : i32
      %get3A = arith.index_cast %multiple_of3A_637 : i32 to index
      %get3A_638 = tpu.vector_load %arg8[%get3A] {strides = array<i32>} : memref<2000xi32, #tpu.memory_space<vmem>>, vector<16xi32>,
      %mul3A_639 = arith.constant 16 : i32
      %mul3A_640 = arith.muli %scan3A_634, %mul3A_639 : i32
      %add3A_641 = vector.broadcast %mul3A_640 : i32 to vector<16xi32>
      %add3A_642 = arith.addi %add3A_641, %iota3A : vector<16xi32>
      %gather3A_643 = tpu.vector_load_idx %arg7[%get3A_638, %and3A_7] : memref<10000x8xf32, #tpu.memory_space<vmem>>[vector<16xi32>, vector<16xi32>], vector<16xf32>,
      %gather3A_644 = tpu.vector_load_idx %arg12[%add3A_642, %and3A_7] : memref<2000x8xf32, #tpu.memory_space<vmem>>[vector<16xi32>, vector<16xi32>], vector<16xf32>,
      %add3A_645 = arith.addf %gather3A_643, %gather3A_644 : vector<16xf32>
      %max3A = arith.constant 0.000000e+00 : f32
      %max3A_646 = vector.broadcast %max3A : f32 to vector<16xf32>
      %max3A_647 = arith.maximumf %add3A_645, %max3A_646 : vector<16xf32>
      %mul3A_648 = arith.mulf %max3A_647, %gather3A : vector<16xf32>
      %gather3A_649 = tpu.vector_load_idx %arg7[%get3A_638, %and3A_13] : memref<10000x8xf32, #tpu.memory_space<vmem>>[vector<16xi32>, vector<16xi32>], vector<16xf32>,
      %gather3A_650 = tpu.vector_load_idx %arg12[%add3A_642, %and3A_13] : memref<2000x8xf32, #tpu.memory_space<vmem>>[vector<16xi32>, vector<16xi32>], vector<16xf32>,
      %add3A_651 = arith.addf %gather3A_649, %gather3A_650 : vector<16xf32>
      %max3A_652 = arith.constant 0.000000e+00 : f32
      %max3A_653 = vector.broadcast %max3A_652 : f32 to vector<16xf32>
      %max3A_654 = arith.maximumf %add3A_651, %max3A_653 : vector<16xf32>
      %mul3A_655 = arith.mulf %max3A_654, %gather3A_50 : vector<16xf32>
      %gather3A_656 = tpu.vector_load_idx %arg7[%get3A_638, %and3A_19] : memref<10000x8xf32, #tpu.memory_space<vmem>>[vector<16xi32>, vector<16xi32>], vector<16xf32>,
      %gather3A_657 = tpu.vector_load_idx %arg12[%add3A_642, %and3A_19] : memref<2000x8xf32, #tpu.memory_space<vmem>>[vector<16xi32>, vector<16xi32>], vector<16xf32>,
      %add3A_658 = arith.addf %gather3A_656, %gather3A_657 : vector<16xf32>
      %max3A_659 = arith.constant 0.000000e+00 : f32
      %max3A_660 = vector.broadcast %max3A_659 : f32 to vector<16xf32>
      %max3A_661 = arith.maximumf %add3A_658, %max3A_660 : vector<16xf32>
      %mul3A_662 = arith.mulf %max3A_661, %gather3A_51 : vector<16xf32>
      %gather3A_663 = tpu.vector_load_idx %arg7[%get3A_638, %and3A_25] : memref<10000x8xf32, #tpu.memory_space<vmem>>[vector<16xi32>, vector<16xi32>], vector<16xf32>,
      %gather3A_664 = tpu.vector_load_idx %arg12[%add3A_642, %and3A_25] : memref<2000x8xf32, #tpu.memory_space<vmem>>[vector<16xi32>, vector<16xi32>], vector<16xf32>,
      %add3A_665 = arith.addf %gather3A_663, %gather3A_664 : vector<16xf32>
      %max3A_666 = arith.constant 0.000000e+00 : f32
      %max3A_667 = vector.broadcast %max3A_666 : f32 to vector<16xf32>
      %max3A_668 = arith.maximumf %add3A_665, %max3A_667 : vector<16xf32>
      %mul3A_669 = arith.mulf %max3A_668, %gather3A_52 : vector<16xf32>
      %gather3A_670 = tpu.vector_load_idx %arg7[%get3A_638, %and3A_31] : memref<10000x8xf32, #tpu.memory_space<vmem>>[vector<16xi32>, vector<16xi32>], vector<16xf32>,
      %gather3A_671 = tpu.vector_load_idx %arg12[%add3A_642, %and3A_31] : memref<2000x8xf32, #tpu.memory_space<vmem>>[vector<16xi32>, vector<16xi32>], vector<16xf32>,
      %add3A_672 = arith.addf %gather3A_670, %gather3A_671 : vector<16xf32>
      %max3A_673 = arith.constant 0.000000e+00 : f32
      %max3A_674 = vector.broadcast %max3A_673 : f32 to vector<16xf32>
      %max3A_675 = arith.maximumf %add3A_672, %max3A_674 : vector<16xf32>
      %mul3A_676 = arith.mulf %max3A_675, %gather3A_53 : vector<16xf32>
      %gather3A_677 = tpu.vector_load_idx %arg7[%get3A_638, %and3A_37] : memref<10000x8xf32, #tpu.memory_space<vmem>>[vector<16xi32>, vector<16xi32>], vector<16xf32>,
      %gather3A_678 = tpu.vector_load_idx %arg12[%add3A_642, %and3A_37] : memref<2000x8xf32, #tpu.memory_space<vmem>>[vector<16xi32>, vector<16xi32>], vector<16xf32>,
      %add3A_679 = arith.addf %gather3A_677, %gather3A_678 : vector<16xf32>
      %max3A_680 = arith.constant 0.000000e+00 : f32
      %max3A_681 = vector.broadcast %max3A_680 : f32 to vector<16xf32>
      %max3A_682 = arith.maximumf %add3A_679, %max3A_681 : vector<16xf32>
      %mul3A_683 = arith.mulf %max3A_682, %gather3A_54 : vector<16xf32>
      %gather3A_684 = tpu.vector_load_idx %arg7[%get3A_638, %and3A_43] : memref<10000x8xf32, #tpu.memory_space<vmem>>[vector<16xi32>, vector<16xi32>], vector<16xf32>,
      %gather3A_685 = tpu.vector_load_idx %arg12[%add3A_642, %and3A_43] : memref<2000x8xf32, #tpu.memory_space<vmem>>[vector<16xi32>, vector<16xi32>], vector<16xf32>,
      %add3A_686 = arith.addf %gather3A_684, %gather3A_685 : vector<16xf32>
      %max3A_687 = arith.constant 0.000000e+00 : f32
      %max3A_688 = vector.broadcast %max3A_687 : f32 to vector<16xf32>
      %max3A_689 = arith.maximumf %add3A_686, %max3A_688 : vector<16xf32>
      %mul3A_690 = arith.mulf %max3A_689, %gather3A_55 : vector<16xf32>
      %gather3A_691 = tpu.vector_load_idx %arg7[%get3A_638, %and3A_49] : memref<10000x8xf32, #tpu.memory_space<vmem>>[vector<16xi32>, vector<16xi32>], vector<16xf32>,
      %gather3A_692 = tpu.vector_load_idx %arg12[%add3A_642, %and3A_49] : memref<2000x8xf32, #tpu.memory_space<vmem>>[vector<16xi32>, vector<16xi32>], vector<16xf32>,
      %add3A_693 = arith.addf %gather3A_691, %gather3A_692 : vector<16xf32>
      %max3A_694 = arith.constant 0.000000e+00 : f32
      %max3A_695 = vector.broadcast %max3A_694 : f32 to vector<16xf32>
      %max3A_696 = arith.maximumf %add3A_693, %max3A_695 : vector<16xf32>
      %mul3A_697 = arith.mulf %max3A_696, %gather3A_56 : vector<16xf32>
      %add3A_698 = arith.addf %mul3A_648, %mul3A_655 : vector<16xf32>
      %add3A_699 = arith.addf %mul3A_662, %mul3A_669 : vector<16xf32>
      %add3A_700 = arith.addf %mul3A_676, %mul3A_683 : vector<16xf32>
      %add3A_701 = arith.addf %mul3A_690, %mul3A_697 : vector<16xf32>
      %add3A_702 = arith.addf %add3A_698, %add3A_699 : vector<16xf32>
      %add3A_703 = arith.addf %add3A_700, %add3A_701 : vector<16xf32>
      %add3A_704 = arith.addf %add3A_702, %add3A_703 : vector<16xf32>
      %mul3A_705 = arith.constant 16 : i32
      %mul3A_706 = arith.muli %scan3A_634, %mul3A_705 : i32
      %multiple_of3A_707 = tpu.assume_multiple %mul3A_706, 16 : i32
      %swap3A = arith.index_cast %multiple_of3A_707 : i32 to index
      %swap3A_708 = tpu.vector_load %arg14[%swap3A] {strides = array<i32>} : memref<2000xf32, #tpu.memory_space<vmem>>, vector<16xf32>,
      tpu.vector_store %arg14[%swap3A], %add3A_704 {strides = array<i32>} : memref<2000xf32, #tpu.memory_space<vmem>>, vector<16xf32>,
    }
    %scan3A_227 = arith.constant 125 : i32
    %add3A_228 = arith.constant 0 : i32
    %add3A_229 = arith.addi %multiple_of3A, %add3A_228 : i32
    %dma_start3A_230 = tpu.memref_slice %arg6[%add3A_229] : memref<320000xf32, #tpu.memory_space<hbm>> -> memref<2000xf32, #tpu.memory_space<hbm>>
    %dma_start3A_231 = tpu.memref_slice %arg6[%add3A_229] : memref<320000xf32, #tpu.memory_space<hbm>> -> memref<2000xf32, #tpu.memory_space<hbm>>
    tpu.enqueue_dma source(%arg14 : memref<2000xf32, #tpu.memory_space<vmem>>) target(%dma_start3A_231 : memref<2000xf32, #tpu.memory_space<hbm>>) target_semaphore(%arg20 : memref<!tpu.dma_semaphore, #tpu.memory_space<semaphore_mem>>)
    %add3A_232 = arith.constant 4000 : i32
    %add3A_233 = arith.addi %multiple_of3A, %add3A_232 : i32
    %dma_start3A_234 = arith.constant 0 : i32
    %dma_start3A_235 = tpu.memref_slice %arg4[%dma_start3A_234, %add3A_233] : memref<2x320000xi32, #tpu.memory_space<hbm>> -> memref<1x2000xi32, #tpu.memory_space<hbm>>
    %dma_start3A_236 = tpu.memref_squeeze %dma_start3A_235 : memref<1x2000xi32, #tpu.memory_space<hbm>> -> memref<2000xi32, #tpu.memory_space<hbm>>
    %dma_start3A_237 = tpu.memref_slice %arg4[%dma_start3A_234, %add3A_233] : memref<2x320000xi32, #tpu.memory_space<hbm>> -> memref<1x2000xi32, #tpu.memory_space<hbm>>
    %dma_start3A_238 = tpu.memref_squeeze %dma_start3A_237 : memref<1x2000xi32, #tpu.memory_space<hbm>> -> memref<2000xi32, #tpu.memory_space<hbm>>
    tpu.enqueue_dma source(%dma_start3A_238 : memref<2000xi32, #tpu.memory_space<hbm>>) target(%arg8 : memref<2000xi32, #tpu.memory_space<vmem>>) target_semaphore(%arg18 : memref<!tpu.dma_semaphore, #tpu.memory_space<semaphore_mem>>)
    %add3A_239 = arith.constant 4000 : i32
    %add3A_240 = arith.addi %multiple_of3A, %add3A_239 : i32
    %dma_start3A_241 = arith.constant 1 : i32
    %dma_start3A_242 = tpu.memref_slice %arg4[%dma_start3A_241, %add3A_240] : memref<2x320000xi32, #tpu.memory_space<hbm>> -> memref<1x2000xi32, #tpu.memory_space<hbm>>
    %dma_start3A_243 = tpu.memref_squeeze %dma_start3A_242 : memref<1x2000xi32, #tpu.memory_space<hbm>> -> memref<2000xi32, #tpu.memory_space<hbm>>
    %dma_start3A_244 = tpu.memref_slice %arg4[%dma_start3A_241, %add3A_240] : memref<2x320000xi32, #tpu.memory_space<hbm>> -> memref<1x2000xi32, #tpu.memory_space<hbm>>
    %dma_start3A_245 = tpu.memref_squeeze %dma_start3A_244 : memref<1x2000xi32, #tpu.memory_space<hbm>> -> memref<2000xi32, #tpu.memory_space<hbm>>
    tpu.enqueue_dma source(%dma_start3A_245 : memref<2000xi32, #tpu.memory_space<hbm>>) target(%arg10 : memref<2000xi32, #tpu.memory_space<vmem>>) target_semaphore(%arg18 : memref<!tpu.dma_semaphore, #tpu.memory_space<semaphore_mem>>)
    %dma_wait3A_246 = arith.constant 0 : i32
    %dma_wait3A_247 = tpu.memref_slice %arg4[%dma_wait3A_246, %add3A_233] : memref<2x320000xi32, #tpu.memory_space<hbm>> -> memref<1x2000xi32, #tpu.memory_space<hbm>>
    %dma_wait3A_248 = tpu.memref_squeeze %dma_wait3A_247 : memref<1x2000xi32, #tpu.memory_space<hbm>> -> memref<2000xi32, #tpu.memory_space<hbm>>
    %dma_wait3A_249 = tpu.memref_slice %arg4[%dma_wait3A_246, %add3A_233] : memref<2x320000xi32, #tpu.memory_space<hbm>> -> memref<1x2000xi32, #tpu.memory_space<hbm>>
    %dma_wait3A_250 = tpu.memref_squeeze %dma_wait3A_249 : memref<1x2000xi32, #tpu.memory_space<hbm>> -> memref<2000xi32, #tpu.memory_space<hbm>>
    tpu.wait_dma2 semaphore(%arg18 : memref<!tpu.dma_semaphore, #tpu.memory_space<semaphore_mem>>) src(%dma_wait3A_250 : memref<2000xi32, #tpu.memory_space<hbm>>) dst(%arg8 : memref<2000xi32, #tpu.memory_space<vmem>>)
    %dma_wait3A_251 = arith.constant 1 : i32
    %dma_wait3A_252 = tpu.memref_slice %arg4[%dma_wait3A_251, %add3A_240] : memref<2x320000xi32, #tpu.memory_space<hbm>> -> memref<1x2000xi32, #tpu.memory_space<hbm>>
    %dma_wait3A_253 = tpu.memref_squeeze %dma_wait3A_252 : memref<1x2000xi32, #tpu.memory_space<hbm>> -> memref<2000xi32, #tpu.memory_space<hbm>>
    %dma_wait3A_254 = tpu.memref_slice %arg4[%dma_wait3A_251, %add3A_240] : memref<2x320000xi32, #tpu.memory_space<hbm>> -> memref<1x2000xi32, #tpu.memory_space<hbm>>
    %dma_wait3A_255 = tpu.memref_squeeze %dma_wait3A_254 : memref<1x2000xi32, #tpu.memory_space<hbm>> -> memref<2000xi32, #tpu.memory_space<hbm>>
    tpu.wait_dma2 semaphore(%arg18 : memref<!tpu.dma_semaphore, #tpu.memory_space<semaphore_mem>>) src(%dma_wait3A_255 : memref<2000xi32, #tpu.memory_space<hbm>>) dst(%arg10 : memref<2000xi32, #tpu.memory_space<vmem>>)
    %dma_start3A_256 = arith.constant 0 : i32
    %dma_start3A_257 = arith.constant 0 : i32
    %dma_start3A_258 = tpu.memref_slice %arg12[%dma_start3A_256, %dma_start3A_257] : memref<2000x8xf32, #tpu.memory_space<vmem>> -> memref<400x8xf32, #tpu.memory_space<vmem>>
    %dma_start3A_259 = arith.constant 0 : i32
    %dma_start3A_260 = tpu.memref_slice %arg10[%dma_start3A_259] : memref<2000xi32, #tpu.memory_space<vmem>> -> memref<400xi32, #tpu.memory_space<vmem>>
    %dma_start3A_261 = arith.constant 0 : i32
    %dma_start3A_262 = arith.constant 0 : i32
    %dma_start3A_263 = tpu.memref_slice %arg3[%dma_start3A_261, %dma_start3A_262] : memref<10000x8xf32, #tpu.memory_space<hbm>> -> memref<10000x8xf32, #tpu.memory_space<hbm>>
    tpu.enqueue_indirect_dma source(%dma_start3A_263 : memref<10000x8xf32, #tpu.memory_space<hbm>>) target(%dma_start3A_258 : memref<400x8xf32, #tpu.memory_space<vmem>>) offsets(%dma_start3A_260 : memref<400xi32, #tpu.memory_space<vmem>>) semaphore(%arg19 : memref<!tpu.dma_semaphore, #tpu.memory_space<semaphore_mem>>)
    %dma_start3A_264 = arith.constant 400 : i32
    %dma_start3A_265 = arith.constant 0 : i32
    %dma_start3A_266 = tpu.memref_slice %arg12[%dma_start3A_264, %dma_start3A_265] : memref<2000x8xf32, #tpu.memory_space<vmem>> -> memref<400x8xf32, #tpu.memory_space<vmem>>
    %dma_start3A_267 = arith.constant 400 : i32
    %dma_start3A_268 = tpu.memref_slice %arg10[%dma_start3A_267] : memref<2000xi32, #tpu.memory_space<vmem>> -> memref<400xi32, #tpu.memory_space<vmem>>
    %dma_start3A_269 = arith.constant 0 : i32
    %dma_start3A_270 = arith.constant 0 : i32
    %dma_start3A_271 = tpu.memref_slice %arg3[%dma_start3A_269, %dma_start3A_270] : memref<10000x8xf32, #tpu.memory_space<hbm>> -> memref<10000x8xf32, #tpu.memory_space<hbm>>
    tpu.enqueue_indirect_dma source(%dma_start3A_271 : memref<10000x8xf32, #tpu.memory_space<hbm>>) target(%dma_start3A_266 : memref<400x8xf32, #tpu.memory_space<vmem>>) offsets(%dma_start3A_268 : memref<400xi32, #tpu.memory_space<vmem>>) semaphore(%arg19 : memref<!tpu.dma_semaphore, #tpu.memory_space<semaphore_mem>>)
    %dma_start3A_272 = arith.constant 800 : i32
    %dma_start3A_273 = arith.constant 0 : i32
    %dma_start3A_274 = tpu.memref_slice %arg12[%dma_start3A_272, %dma_start3A_273] : memref<2000x8xf32, #tpu.memory_space<vmem>> -> memref<400x8xf32, #tpu.memory_space<vmem>>
    %dma_start3A_275 = arith.constant 800 : i32
    %dma_start3A_276 = tpu.memref_slice %arg10[%dma_start3A_275] : memref<2000xi32, #tpu.memory_space<vmem>> -> memref<400xi32, #tpu.memory_space<vmem>>
    %dma_start3A_277 = arith.constant 0 : i32
    %dma_start3A_278 = arith.constant 0 : i32
    %dma_start3A_279 = tpu.memref_slice %arg3[%dma_start3A_277, %dma_start3A_278] : memref<10000x8xf32, #tpu.memory_space<hbm>> -> memref<10000x8xf32, #tpu.memory_space<hbm>>
    tpu.enqueue_indirect_dma source(%dma_start3A_279 : memref<10000x8xf32, #tpu.memory_space<hbm>>) target(%dma_start3A_274 : memref<400x8xf32, #tpu.memory_space<vmem>>) offsets(%dma_start3A_276 : memref<400xi32, #tpu.memory_space<vmem>>) semaphore(%arg19 : memref<!tpu.dma_semaphore, #tpu.memory_space<semaphore_mem>>)
    %dma_start3A_280 = arith.constant 1200 : i32
    %dma_start3A_281 = arith.constant 0 : i32
    %dma_start3A_282 = tpu.memref_slice %arg12[%dma_start3A_280, %dma_start3A_281] : memref<2000x8xf32, #tpu.memory_space<vmem>> -> memref<400x8xf32, #tpu.memory_space<vmem>>
    %dma_start3A_283 = arith.constant 1200 : i32
    %dma_start3A_284 = tpu.memref_slice %arg10[%dma_start3A_283] : memref<2000xi32, #tpu.memory_space<vmem>> -> memref<400xi32, #tpu.memory_space<vmem>>
    %dma_start3A_285 = arith.constant 0 : i32
    %dma_start3A_286 = arith.constant 0 : i32
    %dma_start3A_287 = tpu.memref_slice %arg3[%dma_start3A_285, %dma_start3A_286] : memref<10000x8xf32, #tpu.memory_space<hbm>> -> memref<10000x8xf32, #tpu.memory_space<hbm>>
    tpu.enqueue_indirect_dma source(%dma_start3A_287 : memref<10000x8xf32, #tpu.memory_space<hbm>>) target(%dma_start3A_282 : memref<400x8xf32, #tpu.memory_space<vmem>>) offsets(%dma_start3A_284 : memref<400xi32, #tpu.memory_space<vmem>>) semaphore(%arg19 : memref<!tpu.dma_semaphore, #tpu.memory_space<semaphore_mem>>)
    %dma_start3A_288 = arith.constant 1600 : i32
    %dma_start3A_289 = arith.constant 0 : i32
    %dma_start3A_290 = tpu.memref_slice %arg12[%dma_start3A_288, %dma_start3A_289] : memref<2000x8xf32, #tpu.memory_space<vmem>> -> memref<400x8xf32, #tpu.memory_space<vmem>>
    %dma_start3A_291 = arith.constant 1600 : i32
    %dma_start3A_292 = tpu.memref_slice %arg10[%dma_start3A_291] : memref<2000xi32, #tpu.memory_space<vmem>> -> memref<400xi32, #tpu.memory_space<vmem>>
    %dma_start3A_293 = arith.constant 0 : i32
    %dma_start3A_294 = arith.constant 0 : i32
    %dma_start3A_295 = tpu.memref_slice %arg3[%dma_start3A_293, %dma_start3A_294] : memref<10000x8xf32, #tpu.memory_space<hbm>> -> memref<10000x8xf32, #tpu.memory_space<hbm>>
    tpu.enqueue_indirect_dma source(%dma_start3A_295 : memref<10000x8xf32, #tpu.memory_space<hbm>>) target(%dma_start3A_290 : memref<400x8xf32, #tpu.memory_space<vmem>>) offsets(%dma_start3A_292 : memref<400xi32, #tpu.memory_space<vmem>>) semaphore(%arg19 : memref<!tpu.dma_semaphore, #tpu.memory_space<semaphore_mem>>)
    %dma_wait3A_296 = arith.constant 0 : i32
    %dma_wait3A_297 = arith.constant 0 : i32
    %dma_wait3A_298 = tpu.memref_slice %arg13[%dma_wait3A_296, %dma_wait3A_297] : memref<2000x8xf32, #tpu.memory_space<vmem>> -> memref<400x8xf32, #tpu.memory_space<vmem>>
    %dma_wait3A_299 = arith.constant 0 : i32
    %dma_wait3A_300 = tpu.memref_slice %arg11[%dma_wait3A_299] : memref<2000xi32, #tpu.memory_space<vmem>> -> memref<400xi32, #tpu.memory_space<vmem>>
    %dma_wait3A_301 = arith.constant 0 : i32
    %dma_wait3A_302 = arith.constant 0 : i32
    %dma_wait3A_303 = tpu.memref_slice %arg3[%dma_wait3A_301, %dma_wait3A_302] : memref<10000x8xf32, #tpu.memory_space<hbm>> -> memref<10000x8xf32, #tpu.memory_space<hbm>>
    tpu.wait_indirect_dma semaphore(%arg19 : memref<!tpu.dma_semaphore, #tpu.memory_space<semaphore_mem>>) src(%dma_wait3A_303 : memref<10000x8xf32, #tpu.memory_space<hbm>>) dst(%dma_wait3A_298 : memref<400x8xf32, #tpu.memory_space<vmem>>)
    %dma_wait3A_304 = arith.constant 400 : i32
    %dma_wait3A_305 = arith.constant 0 : i32
    %dma_wait3A_306 = tpu.memref_slice %arg13[%dma_wait3A_304, %dma_wait3A_305] : memref<2000x8xf32, #tpu.memory_space<vmem>> -> memref<400x8xf32, #tpu.memory_space<vmem>>
    %dma_wait3A_307 = arith.constant 400 : i32
    %dma_wait3A_308 = tpu.memref_slice %arg11[%dma_wait3A_307] : memref<2000xi32, #tpu.memory_space<vmem>> -> memref<400xi32, #tpu.memory_space<vmem>>
    %dma_wait3A_309 = arith.constant 0 : i32
    %dma_wait3A_310 = arith.constant 0 : i32
    %dma_wait3A_311 = tpu.memref_slice %arg3[%dma_wait3A_309, %dma_wait3A_310] : memref<10000x8xf32, #tpu.memory_space<hbm>> -> memref<10000x8xf32, #tpu.memory_space<hbm>>
    tpu.wait_indirect_dma semaphore(%arg19 : memref<!tpu.dma_semaphore, #tpu.memory_space<semaphore_mem>>) src(%dma_wait3A_311 : memref<10000x8xf32, #tpu.memory_space<hbm>>) dst(%dma_wait3A_306 : memref<400x8xf32, #tpu.memory_space<vmem>>)
    %dma_wait3A_312 = arith.constant 800 : i32
    %dma_wait3A_313 = arith.constant 0 : i32
    %dma_wait3A_314 = tpu.memref_slice %arg13[%dma_wait3A_312, %dma_wait3A_313] : memref<2000x8xf32, #tpu.memory_space<vmem>> -> memref<400x8xf32, #tpu.memory_space<vmem>>
    %dma_wait3A_315 = arith.constant 800 : i32
    %dma_wait3A_316 = tpu.memref_slice %arg11[%dma_wait3A_315] : memref<2000xi32, #tpu.memory_space<vmem>> -> memref<400xi32, #tpu.memory_space<vmem>>
    %dma_wait3A_317 = arith.constant 0 : i32
    %dma_wait3A_318 = arith.constant 0 : i32
    %dma_wait3A_319 = tpu.memref_slice %arg3[%dma_wait3A_317, %dma_wait3A_318] : memref<10000x8xf32, #tpu.memory_space<hbm>> -> memref<10000x8xf32, #tpu.memory_space<hbm>>
    tpu.wait_indirect_dma semaphore(%arg19 : memref<!tpu.dma_semaphore, #tpu.memory_space<semaphore_mem>>) src(%dma_wait3A_319 : memref<10000x8xf32, #tpu.memory_space<hbm>>) dst(%dma_wait3A_314 : memref<400x8xf32, #tpu.memory_space<vmem>>)
    %dma_wait3A_320 = arith.constant 1200 : i32
    %dma_wait3A_321 = arith.constant 0 : i32
    %dma_wait3A_322 = tpu.memref_slice %arg13[%dma_wait3A_320, %dma_wait3A_321] : memref<2000x8xf32, #tpu.memory_space<vmem>> -> memref<400x8xf32, #tpu.memory_space<vmem>>
    %dma_wait3A_323 = arith.constant 1200 : i32
    %dma_wait3A_324 = tpu.memref_slice %arg11[%dma_wait3A_323] : memref<2000xi32, #tpu.memory_space<vmem>> -> memref<400xi32, #tpu.memory_space<vmem>>
    %dma_wait3A_325 = arith.constant 0 : i32
    %dma_wait3A_326 = arith.constant 0 : i32
    %dma_wait3A_327 = tpu.memref_slice %arg3[%dma_wait3A_325, %dma_wait3A_326] : memref<10000x8xf32, #tpu.memory_space<hbm>> -> memref<10000x8xf32, #tpu.memory_space<hbm>>
    tpu.wait_indirect_dma semaphore(%arg19 : memref<!tpu.dma_semaphore, #tpu.memory_space<semaphore_mem>>) src(%dma_wait3A_327 : memref<10000x8xf32, #tpu.memory_space<hbm>>) dst(%dma_wait3A_322 : memref<400x8xf32, #tpu.memory_space<vmem>>)
    %dma_wait3A_328 = arith.constant 1600 : i32
    %dma_wait3A_329 = arith.constant 0 : i32
    %dma_wait3A_330 = tpu.memref_slice %arg13[%dma_wait3A_328, %dma_wait3A_329] : memref<2000x8xf32, #tpu.memory_space<vmem>> -> memref<400x8xf32, #tpu.memory_space<vmem>>
    %dma_wait3A_331 = arith.constant 1600 : i32
    %dma_wait3A_332 = tpu.memref_slice %arg11[%dma_wait3A_331] : memref<2000xi32, #tpu.memory_space<vmem>> -> memref<400xi32, #tpu.memory_space<vmem>>
    %dma_wait3A_333 = arith.constant 0 : i32
    %dma_wait3A_334 = arith.constant 0 : i32
    %dma_wait3A_335 = tpu.memref_slice %arg3[%dma_wait3A_333, %dma_wait3A_334] : memref<10000x8xf32, #tpu.memory_space<hbm>> -> memref<10000x8xf32, #tpu.memory_space<hbm>>
    tpu.wait_indirect_dma semaphore(%arg19 : memref<!tpu.dma_semaphore, #tpu.memory_space<semaphore_mem>>) src(%dma_wait3A_335 : memref<10000x8xf32, #tpu.memory_space<hbm>>) dst(%dma_wait3A_330 : memref<400x8xf32, #tpu.memory_space<vmem>>)
    %scan3A_336 = arith.constant 0 : i32
    %scan3A_337 = arith.constant 0 : i32
    %scan3A_338 = arith.constant 125 : i32
    %scan3A_339 = arith.addi %scan3A_337, %scan3A_338 : i32
    %scan3A_340 = arith.constant 1 : i32
    scf.for %scan3A_634 = %scan3A_337 to %scan3A_339 step %scan3A_340  : i32 {
      %mul3A_635 = arith.constant 16 : i32
      %mul3A_636 = arith.muli %scan3A_634, %mul3A_635 : i32
      %multiple_of3A_637 = tpu.assume_multiple %mul3A_636, 16 : i32
      %get3A = arith.index_cast %multiple_of3A_637 : i32 to index
      %get3A_638 = tpu.vector_load %arg9[%get3A] {strides = array<i32>} : memref<2000xi32, #tpu.memory_space<vmem>>, vector<16xi32>,
      %mul3A_639 = arith.constant 16 : i32
      %mul3A_640 = arith.muli %scan3A_634, %mul3A_639 : i32
      %add3A_641 = vector.broadcast %mul3A_640 : i32 to vector<16xi32>
      %add3A_642 = arith.addi %add3A_641, %iota3A : vector<16xi32>
      %gather3A_643 = tpu.vector_load_idx %arg7[%get3A_638, %and3A_7] : memref<10000x8xf32, #tpu.memory_space<vmem>>[vector<16xi32>, vector<16xi32>], vector<16xf32>,
      %gather3A_644 = tpu.vector_load_idx %arg13[%add3A_642, %and3A_7] : memref<2000x8xf32, #tpu.memory_space<vmem>>[vector<16xi32>, vector<16xi32>], vector<16xf32>,
      %add3A_645 = arith.addf %gather3A_643, %gather3A_644 : vector<16xf32>
      %max3A = arith.constant 0.000000e+00 : f32
      %max3A_646 = vector.broadcast %max3A : f32 to vector<16xf32>
      %max3A_647 = arith.maximumf %add3A_645, %max3A_646 : vector<16xf32>
      %mul3A_648 = arith.mulf %max3A_647, %gather3A : vector<16xf32>
      %gather3A_649 = tpu.vector_load_idx %arg7[%get3A_638, %and3A_13] : memref<10000x8xf32, #tpu.memory_space<vmem>>[vector<16xi32>, vector<16xi32>], vector<16xf32>,
      %gather3A_650 = tpu.vector_load_idx %arg13[%add3A_642, %and3A_13] : memref<2000x8xf32, #tpu.memory_space<vmem>>[vector<16xi32>, vector<16xi32>], vector<16xf32>,
      %add3A_651 = arith.addf %gather3A_649, %gather3A_650 : vector<16xf32>
      %max3A_652 = arith.constant 0.000000e+00 : f32
      %max3A_653 = vector.broadcast %max3A_652 : f32 to vector<16xf32>
      %max3A_654 = arith.maximumf %add3A_651, %max3A_653 : vector<16xf32>
      %mul3A_655 = arith.mulf %max3A_654, %gather3A_50 : vector<16xf32>
      %gather3A_656 = tpu.vector_load_idx %arg7[%get3A_638, %and3A_19] : memref<10000x8xf32, #tpu.memory_space<vmem>>[vector<16xi32>, vector<16xi32>], vector<16xf32>,
      %gather3A_657 = tpu.vector_load_idx %arg13[%add3A_642, %and3A_19] : memref<2000x8xf32, #tpu.memory_space<vmem>>[vector<16xi32>, vector<16xi32>], vector<16xf32>,
      %add3A_658 = arith.addf %gather3A_656, %gather3A_657 : vector<16xf32>
      %max3A_659 = arith.constant 0.000000e+00 : f32
      %max3A_660 = vector.broadcast %max3A_659 : f32 to vector<16xf32>
      %max3A_661 = arith.maximumf %add3A_658, %max3A_660 : vector<16xf32>
      %mul3A_662 = arith.mulf %max3A_661, %gather3A_51 : vector<16xf32>
      %gather3A_663 = tpu.vector_load_idx %arg7[%get3A_638, %and3A_25] : memref<10000x8xf32, #tpu.memory_space<vmem>>[vector<16xi32>, vector<16xi32>], vector<16xf32>,
      %gather3A_664 = tpu.vector_load_idx %arg13[%add3A_642, %and3A_25] : memref<2000x8xf32, #tpu.memory_space<vmem>>[vector<16xi32>, vector<16xi32>], vector<16xf32>,
      %add3A_665 = arith.addf %gather3A_663, %gather3A_664 : vector<16xf32>
      %max3A_666 = arith.constant 0.000000e+00 : f32
      %max3A_667 = vector.broadcast %max3A_666 : f32 to vector<16xf32>
      %max3A_668 = arith.maximumf %add3A_665, %max3A_667 : vector<16xf32>
      %mul3A_669 = arith.mulf %max3A_668, %gather3A_52 : vector<16xf32>
      %gather3A_670 = tpu.vector_load_idx %arg7[%get3A_638, %and3A_31] : memref<10000x8xf32, #tpu.memory_space<vmem>>[vector<16xi32>, vector<16xi32>], vector<16xf32>,
      %gather3A_671 = tpu.vector_load_idx %arg13[%add3A_642, %and3A_31] : memref<2000x8xf32, #tpu.memory_space<vmem>>[vector<16xi32>, vector<16xi32>], vector<16xf32>,
      %add3A_672 = arith.addf %gather3A_670, %gather3A_671 : vector<16xf32>
      %max3A_673 = arith.constant 0.000000e+00 : f32
      %max3A_674 = vector.broadcast %max3A_673 : f32 to vector<16xf32>
      %max3A_675 = arith.maximumf %add3A_672, %max3A_674 : vector<16xf32>
      %mul3A_676 = arith.mulf %max3A_675, %gather3A_53 : vector<16xf32>
      %gather3A_677 = tpu.vector_load_idx %arg7[%get3A_638, %and3A_37] : memref<10000x8xf32, #tpu.memory_space<vmem>>[vector<16xi32>, vector<16xi32>], vector<16xf32>,
      %gather3A_678 = tpu.vector_load_idx %arg13[%add3A_642, %and3A_37] : memref<2000x8xf32, #tpu.memory_space<vmem>>[vector<16xi32>, vector<16xi32>], vector<16xf32>,
      %add3A_679 = arith.addf %gather3A_677, %gather3A_678 : vector<16xf32>
      %max3A_680 = arith.constant 0.000000e+00 : f32
      %max3A_681 = vector.broadcast %max3A_680 : f32 to vector<16xf32>
      %max3A_682 = arith.maximumf %add3A_679, %max3A_681 : vector<16xf32>
      %mul3A_683 = arith.mulf %max3A_682, %gather3A_54 : vector<16xf32>
      %gather3A_684 = tpu.vector_load_idx %arg7[%get3A_638, %and3A_43] : memref<10000x8xf32, #tpu.memory_space<vmem>>[vector<16xi32>, vector<16xi32>], vector<16xf32>,
      %gather3A_685 = tpu.vector_load_idx %arg13[%add3A_642, %and3A_43] : memref<2000x8xf32, #tpu.memory_space<vmem>>[vector<16xi32>, vector<16xi32>], vector<16xf32>,
      %add3A_686 = arith.addf %gather3A_684, %gather3A_685 : vector<16xf32>
      %max3A_687 = arith.constant 0.000000e+00 : f32
      %max3A_688 = vector.broadcast %max3A_687 : f32 to vector<16xf32>
      %max3A_689 = arith.maximumf %add3A_686, %max3A_688 : vector<16xf32>
      %mul3A_690 = arith.mulf %max3A_689, %gather3A_55 : vector<16xf32>
      %gather3A_691 = tpu.vector_load_idx %arg7[%get3A_638, %and3A_49] : memref<10000x8xf32, #tpu.memory_space<vmem>>[vector<16xi32>, vector<16xi32>], vector<16xf32>,
      %gather3A_692 = tpu.vector_load_idx %arg13[%add3A_642, %and3A_49] : memref<2000x8xf32, #tpu.memory_space<vmem>>[vector<16xi32>, vector<16xi32>], vector<16xf32>,
      %add3A_693 = arith.addf %gather3A_691, %gather3A_692 : vector<16xf32>
      %max3A_694 = arith.constant 0.000000e+00 : f32
      %max3A_695 = vector.broadcast %max3A_694 : f32 to vector<16xf32>
      %max3A_696 = arith.maximumf %add3A_693, %max3A_695 : vector<16xf32>
      %mul3A_697 = arith.mulf %max3A_696, %gather3A_56 : vector<16xf32>
      %add3A_698 = arith.addf %mul3A_648, %mul3A_655 : vector<16xf32>
      %add3A_699 = arith.addf %mul3A_662, %mul3A_669 : vector<16xf32>
      %add3A_700 = arith.addf %mul3A_676, %mul3A_683 : vector<16xf32>
      %add3A_701 = arith.addf %mul3A_690, %mul3A_697 : vector<16xf32>
      %add3A_702 = arith.addf %add3A_698, %add3A_699 : vector<16xf32>
      %add3A_703 = arith.addf %add3A_700, %add3A_701 : vector<16xf32>
      %add3A_704 = arith.addf %add3A_702, %add3A_703 : vector<16xf32>
      %mul3A_705 = arith.constant 16 : i32
      %mul3A_706 = arith.muli %scan3A_634, %mul3A_705 : i32
      %multiple_of3A_707 = tpu.assume_multiple %mul3A_706, 16 : i32
      %swap3A = arith.index_cast %multiple_of3A_707 : i32 to index
      %swap3A_708 = tpu.vector_load %arg15[%swap3A] {strides = array<i32>} : memref<2000xf32, #tpu.memory_space<vmem>>, vector<16xf32>,
      tpu.vector_store %arg15[%swap3A], %add3A_704 {strides = array<i32>} : memref<2000xf32, #tpu.memory_space<vmem>>, vector<16xf32>,
    }
    %scan3A_341 = arith.constant 125 : i32
    %add3A_342 = arith.constant 2000 : i32
    %add3A_343 = arith.addi %multiple_of3A, %add3A_342 : i32
    %dma_start3A_344 = tpu.memref_slice %arg6[%add3A_343] : memref<320000xf32, #tpu.memory_space<hbm>> -> memref<2000xf32, #tpu.memory_space<hbm>>
    %dma_start3A_345 = tpu.memref_slice %arg6[%add3A_343] : memref<320000xf32, #tpu.memory_space<hbm>> -> memref<2000xf32, #tpu.memory_space<hbm>>
    tpu.enqueue_dma source(%arg15 : memref<2000xf32, #tpu.memory_space<vmem>>) target(%dma_start3A_345 : memref<2000xf32, #tpu.memory_space<hbm>>) target_semaphore(%arg20 : memref<!tpu.dma_semaphore, #tpu.memory_space<semaphore_mem>>)
    %add3A_346 = arith.constant 6000 : i32
    %add3A_347 = arith.addi %multiple_of3A, %add3A_346 : i32
    %dma_start3A_348 = arith.constant 0 : i32
    %dma_start3A_349 = tpu.memref_slice %arg4[%dma_start3A_348, %add3A_347] : memref<2x320000xi32, #tpu.memory_space<hbm>> -> memref<1x2000xi32, #tpu.memory_space<hbm>>
    %dma_start3A_350 = tpu.memref_squeeze %dma_start3A_349 : memref<1x2000xi32, #tpu.memory_space<hbm>> -> memref<2000xi32, #tpu.memory_space<hbm>>
    %dma_start3A_351 = tpu.memref_slice %arg4[%dma_start3A_348, %add3A_347] : memref<2x320000xi32, #tpu.memory_space<hbm>> -> memref<1x2000xi32, #tpu.memory_space<hbm>>
    %dma_start3A_352 = tpu.memref_squeeze %dma_start3A_351 : memref<1x2000xi32, #tpu.memory_space<hbm>> -> memref<2000xi32, #tpu.memory_space<hbm>>
    tpu.enqueue_dma source(%dma_start3A_352 : memref<2000xi32, #tpu.memory_space<hbm>>) target(%arg9 : memref<2000xi32, #tpu.memory_space<vmem>>) target_semaphore(%arg18 : memref<!tpu.dma_semaphore, #tpu.memory_space<semaphore_mem>>)
    %add3A_353 = arith.constant 6000 : i32
    %add3A_354 = arith.addi %multiple_of3A, %add3A_353 : i32
    %dma_start3A_355 = arith.constant 1 : i32
    %dma_start3A_356 = tpu.memref_slice %arg4[%dma_start3A_355, %add3A_354] : memref<2x320000xi32, #tpu.memory_space<hbm>> -> memref<1x2000xi32, #tpu.memory_space<hbm>>
    %dma_start3A_357 = tpu.memref_squeeze %dma_start3A_356 : memref<1x2000xi32, #tpu.memory_space<hbm>> -> memref<2000xi32, #tpu.memory_space<hbm>>
    %dma_start3A_358 = tpu.memref_slice %arg4[%dma_start3A_355, %add3A_354] : memref<2x320000xi32, #tpu.memory_space<hbm>> -> memref<1x2000xi32, #tpu.memory_space<hbm>>
    %dma_start3A_359 = tpu.memref_squeeze %dma_start3A_358 : memref<1x2000xi32, #tpu.memory_space<hbm>> -> memref<2000xi32, #tpu.memory_space<hbm>>
    tpu.enqueue_dma source(%dma_start3A_359 : memref<2000xi32, #tpu.memory_space<hbm>>) target(%arg11 : memref<2000xi32, #tpu.memory_space<vmem>>) target_semaphore(%arg18 : memref<!tpu.dma_semaphore, #tpu.memory_space<semaphore_mem>>)
    %dma_wait3A_360 = arith.constant 0 : i32
    %dma_wait3A_361 = tpu.memref_slice %arg4[%dma_wait3A_360, %add3A_347] : memref<2x320000xi32, #tpu.memory_space<hbm>> -> memref<1x2000xi32, #tpu.memory_space<hbm>>
    %dma_wait3A_362 = tpu.memref_squeeze %dma_wait3A_361 : memref<1x2000xi32, #tpu.memory_space<hbm>> -> memref<2000xi32, #tpu.memory_space<hbm>>
    %dma_wait3A_363 = tpu.memref_slice %arg4[%dma_wait3A_360, %add3A_347] : memref<2x320000xi32, #tpu.memory_space<hbm>> -> memref<1x2000xi32, #tpu.memory_space<hbm>>
    %dma_wait3A_364 = tpu.memref_squeeze %dma_wait3A_363 : memref<1x2000xi32, #tpu.memory_space<hbm>> -> memref<2000xi32, #tpu.memory_space<hbm>>
    tpu.wait_dma2 semaphore(%arg18 : memref<!tpu.dma_semaphore, #tpu.memory_space<semaphore_mem>>) src(%dma_wait3A_364 : memref<2000xi32, #tpu.memory_space<hbm>>) dst(%arg9 : memref<2000xi32, #tpu.memory_space<vmem>>)
    %dma_wait3A_365 = arith.constant 1 : i32
    %dma_wait3A_366 = tpu.memref_slice %arg4[%dma_wait3A_365, %add3A_354] : memref<2x320000xi32, #tpu.memory_space<hbm>> -> memref<1x2000xi32, #tpu.memory_space<hbm>>
    %dma_wait3A_367 = tpu.memref_squeeze %dma_wait3A_366 : memref<1x2000xi32, #tpu.memory_space<hbm>> -> memref<2000xi32, #tpu.memory_space<hbm>>
    %dma_wait3A_368 = tpu.memref_slice %arg4[%dma_wait3A_365, %add3A_354] : memref<2x320000xi32, #tpu.memory_space<hbm>> -> memref<1x2000xi32, #tpu.memory_space<hbm>>
    %dma_wait3A_369 = tpu.memref_squeeze %dma_wait3A_368 : memref<1x2000xi32, #tpu.memory_space<hbm>> -> memref<2000xi32, #tpu.memory_space<hbm>>
    tpu.wait_dma2 semaphore(%arg18 : memref<!tpu.dma_semaphore, #tpu.memory_space<semaphore_mem>>) src(%dma_wait3A_369 : memref<2000xi32, #tpu.memory_space<hbm>>) dst(%arg11 : memref<2000xi32, #tpu.memory_space<vmem>>)
    %dma_start3A_370 = arith.constant 0 : i32
    %dma_start3A_371 = arith.constant 0 : i32
    %dma_start3A_372 = tpu.memref_slice %arg13[%dma_start3A_370, %dma_start3A_371] : memref<2000x8xf32, #tpu.memory_space<vmem>> -> memref<400x8xf32, #tpu.memory_space<vmem>>
    %dma_start3A_373 = arith.constant 0 : i32
    %dma_start3A_374 = tpu.memref_slice %arg11[%dma_start3A_373] : memref<2000xi32, #tpu.memory_space<vmem>> -> memref<400xi32, #tpu.memory_space<vmem>>
    %dma_start3A_375 = arith.constant 0 : i32
    %dma_start3A_376 = arith.constant 0 : i32
    %dma_start3A_377 = tpu.memref_slice %arg3[%dma_start3A_375, %dma_start3A_376] : memref<10000x8xf32, #tpu.memory_space<hbm>> -> memref<10000x8xf32, #tpu.memory_space<hbm>>
    tpu.enqueue_indirect_dma source(%dma_start3A_377 : memref<10000x8xf32, #tpu.memory_space<hbm>>) target(%dma_start3A_372 : memref<400x8xf32, #tpu.memory_space<vmem>>) offsets(%dma_start3A_374 : memref<400xi32, #tpu.memory_space<vmem>>) semaphore(%arg19 : memref<!tpu.dma_semaphore, #tpu.memory_space<semaphore_mem>>)
    %dma_start3A_378 = arith.constant 400 : i32
    %dma_start3A_379 = arith.constant 0 : i32
    %dma_start3A_380 = tpu.memref_slice %arg13[%dma_start3A_378, %dma_start3A_379] : memref<2000x8xf32, #tpu.memory_space<vmem>> -> memref<400x8xf32, #tpu.memory_space<vmem>>
    %dma_start3A_381 = arith.constant 400 : i32
    %dma_start3A_382 = tpu.memref_slice %arg11[%dma_start3A_381] : memref<2000xi32, #tpu.memory_space<vmem>> -> memref<400xi32, #tpu.memory_space<vmem>>
    %dma_start3A_383 = arith.constant 0 : i32
    %dma_start3A_384 = arith.constant 0 : i32
    %dma_start3A_385 = tpu.memref_slice %arg3[%dma_start3A_383, %dma_start3A_384] : memref<10000x8xf32, #tpu.memory_space<hbm>> -> memref<10000x8xf32, #tpu.memory_space<hbm>>
    tpu.enqueue_indirect_dma source(%dma_start3A_385 : memref<10000x8xf32, #tpu.memory_space<hbm>>) target(%dma_start3A_380 : memref<400x8xf32, #tpu.memory_space<vmem>>) offsets(%dma_start3A_382 : memref<400xi32, #tpu.memory_space<vmem>>) semaphore(%arg19 : memref<!tpu.dma_semaphore, #tpu.memory_space<semaphore_mem>>)
    %dma_start3A_386 = arith.constant 800 : i32
    %dma_start3A_387 = arith.constant 0 : i32
    %dma_start3A_388 = tpu.memref_slice %arg13[%dma_start3A_386, %dma_start3A_387] : memref<2000x8xf32, #tpu.memory_space<vmem>> -> memref<400x8xf32, #tpu.memory_space<vmem>>
    %dma_start3A_389 = arith.constant 800 : i32
    %dma_start3A_390 = tpu.memref_slice %arg11[%dma_start3A_389] : memref<2000xi32, #tpu.memory_space<vmem>> -> memref<400xi32, #tpu.memory_space<vmem>>
    %dma_start3A_391 = arith.constant 0 : i32
    %dma_start3A_392 = arith.constant 0 : i32
    %dma_start3A_393 = tpu.memref_slice %arg3[%dma_start3A_391, %dma_start3A_392] : memref<10000x8xf32, #tpu.memory_space<hbm>> -> memref<10000x8xf32, #tpu.memory_space<hbm>>
    tpu.enqueue_indirect_dma source(%dma_start3A_393 : memref<10000x8xf32, #tpu.memory_space<hbm>>) target(%dma_start3A_388 : memref<400x8xf32, #tpu.memory_space<vmem>>) offsets(%dma_start3A_390 : memref<400xi32, #tpu.memory_space<vmem>>) semaphore(%arg19 : memref<!tpu.dma_semaphore, #tpu.memory_space<semaphore_mem>>)
    %dma_start3A_394 = arith.constant 1200 : i32
    %dma_start3A_395 = arith.constant 0 : i32
    %dma_start3A_396 = tpu.memref_slice %arg13[%dma_start3A_394, %dma_start3A_395] : memref<2000x8xf32, #tpu.memory_space<vmem>> -> memref<400x8xf32, #tpu.memory_space<vmem>>
    %dma_start3A_397 = arith.constant 1200 : i32
    %dma_start3A_398 = tpu.memref_slice %arg11[%dma_start3A_397] : memref<2000xi32, #tpu.memory_space<vmem>> -> memref<400xi32, #tpu.memory_space<vmem>>
    %dma_start3A_399 = arith.constant 0 : i32
    %dma_start3A_400 = arith.constant 0 : i32
    %dma_start3A_401 = tpu.memref_slice %arg3[%dma_start3A_399, %dma_start3A_400] : memref<10000x8xf32, #tpu.memory_space<hbm>> -> memref<10000x8xf32, #tpu.memory_space<hbm>>
    tpu.enqueue_indirect_dma source(%dma_start3A_401 : memref<10000x8xf32, #tpu.memory_space<hbm>>) target(%dma_start3A_396 : memref<400x8xf32, #tpu.memory_space<vmem>>) offsets(%dma_start3A_398 : memref<400xi32, #tpu.memory_space<vmem>>) semaphore(%arg19 : memref<!tpu.dma_semaphore, #tpu.memory_space<semaphore_mem>>)
    %dma_start3A_402 = arith.constant 1600 : i32
    %dma_start3A_403 = arith.constant 0 : i32
    %dma_start3A_404 = tpu.memref_slice %arg13[%dma_start3A_402, %dma_start3A_403] : memref<2000x8xf32, #tpu.memory_space<vmem>> -> memref<400x8xf32, #tpu.memory_space<vmem>>
    %dma_start3A_405 = arith.constant 1600 : i32
    %dma_start3A_406 = tpu.memref_slice %arg11[%dma_start3A_405] : memref<2000xi32, #tpu.memory_space<vmem>> -> memref<400xi32, #tpu.memory_space<vmem>>
    %dma_start3A_407 = arith.constant 0 : i32
    %dma_start3A_408 = arith.constant 0 : i32
    %dma_start3A_409 = tpu.memref_slice %arg3[%dma_start3A_407, %dma_start3A_408] : memref<10000x8xf32, #tpu.memory_space<hbm>> -> memref<10000x8xf32, #tpu.memory_space<hbm>>
    tpu.enqueue_indirect_dma source(%dma_start3A_409 : memref<10000x8xf32, #tpu.memory_space<hbm>>) target(%dma_start3A_404 : memref<400x8xf32, #tpu.memory_space<vmem>>) offsets(%dma_start3A_406 : memref<400xi32, #tpu.memory_space<vmem>>) semaphore(%arg19 : memref<!tpu.dma_semaphore, #tpu.memory_space<semaphore_mem>>)
    %dma_wait3A_410 = arith.constant 0 : i32
    %dma_wait3A_411 = arith.constant 0 : i32
    %dma_wait3A_412 = tpu.memref_slice %arg12[%dma_wait3A_410, %dma_wait3A_411] : memref<2000x8xf32, #tpu.memory_space<vmem>> -> memref<400x8xf32, #tpu.memory_space<vmem>>
    %dma_wait3A_413 = arith.constant 0 : i32
    %dma_wait3A_414 = tpu.memref_slice %arg10[%dma_wait3A_413] : memref<2000xi32, #tpu.memory_space<vmem>> -> memref<400xi32, #tpu.memory_space<vmem>>
    %dma_wait3A_415 = arith.constant 0 : i32
    %dma_wait3A_416 = arith.constant 0 : i32
    %dma_wait3A_417 = tpu.memref_slice %arg3[%dma_wait3A_415, %dma_wait3A_416] : memref<10000x8xf32, #tpu.memory_space<hbm>> -> memref<10000x8xf32, #tpu.memory_space<hbm>>
    tpu.wait_indirect_dma semaphore(%arg19 : memref<!tpu.dma_semaphore, #tpu.memory_space<semaphore_mem>>) src(%dma_wait3A_417 : memref<10000x8xf32, #tpu.memory_space<hbm>>) dst(%dma_wait3A_412 : memref<400x8xf32, #tpu.memory_space<vmem>>)
    %dma_wait3A_418 = arith.constant 400 : i32
    %dma_wait3A_419 = arith.constant 0 : i32
    %dma_wait3A_420 = tpu.memref_slice %arg12[%dma_wait3A_418, %dma_wait3A_419] : memref<2000x8xf32, #tpu.memory_space<vmem>> -> memref<400x8xf32, #tpu.memory_space<vmem>>
    %dma_wait3A_421 = arith.constant 400 : i32
    %dma_wait3A_422 = tpu.memref_slice %arg10[%dma_wait3A_421] : memref<2000xi32, #tpu.memory_space<vmem>> -> memref<400xi32, #tpu.memory_space<vmem>>
    %dma_wait3A_423 = arith.constant 0 : i32
    %dma_wait3A_424 = arith.constant 0 : i32
    %dma_wait3A_425 = tpu.memref_slice %arg3[%dma_wait3A_423, %dma_wait3A_424] : memref<10000x8xf32, #tpu.memory_space<hbm>> -> memref<10000x8xf32, #tpu.memory_space<hbm>>
    tpu.wait_indirect_dma semaphore(%arg19 : memref<!tpu.dma_semaphore, #tpu.memory_space<semaphore_mem>>) src(%dma_wait3A_425 : memref<10000x8xf32, #tpu.memory_space<hbm>>) dst(%dma_wait3A_420 : memref<400x8xf32, #tpu.memory_space<vmem>>)
    %dma_wait3A_426 = arith.constant 800 : i32
    %dma_wait3A_427 = arith.constant 0 : i32
    %dma_wait3A_428 = tpu.memref_slice %arg12[%dma_wait3A_426, %dma_wait3A_427] : memref<2000x8xf32, #tpu.memory_space<vmem>> -> memref<400x8xf32, #tpu.memory_space<vmem>>
    %dma_wait3A_429 = arith.constant 800 : i32
    %dma_wait3A_430 = tpu.memref_slice %arg10[%dma_wait3A_429] : memref<2000xi32, #tpu.memory_space<vmem>> -> memref<400xi32, #tpu.memory_space<vmem>>
    %dma_wait3A_431 = arith.constant 0 : i32
    %dma_wait3A_432 = arith.constant 0 : i32
    %dma_wait3A_433 = tpu.memref_slice %arg3[%dma_wait3A_431, %dma_wait3A_432] : memref<10000x8xf32, #tpu.memory_space<hbm>> -> memref<10000x8xf32, #tpu.memory_space<hbm>>
    tpu.wait_indirect_dma semaphore(%arg19 : memref<!tpu.dma_semaphore, #tpu.memory_space<semaphore_mem>>) src(%dma_wait3A_433 : memref<10000x8xf32, #tpu.memory_space<hbm>>) dst(%dma_wait3A_428 : memref<400x8xf32, #tpu.memory_space<vmem>>)
    %dma_wait3A_434 = arith.constant 1200 : i32
    %dma_wait3A_435 = arith.constant 0 : i32
    %dma_wait3A_436 = tpu.memref_slice %arg12[%dma_wait3A_434, %dma_wait3A_435] : memref<2000x8xf32, #tpu.memory_space<vmem>> -> memref<400x8xf32, #tpu.memory_space<vmem>>
    %dma_wait3A_437 = arith.constant 1200 : i32
    %dma_wait3A_438 = tpu.memref_slice %arg10[%dma_wait3A_437] : memref<2000xi32, #tpu.memory_space<vmem>> -> memref<400xi32, #tpu.memory_space<vmem>>
    %dma_wait3A_439 = arith.constant 0 : i32
    %dma_wait3A_440 = arith.constant 0 : i32
    %dma_wait3A_441 = tpu.memref_slice %arg3[%dma_wait3A_439, %dma_wait3A_440] : memref<10000x8xf32, #tpu.memory_space<hbm>> -> memref<10000x8xf32, #tpu.memory_space<hbm>>
    tpu.wait_indirect_dma semaphore(%arg19 : memref<!tpu.dma_semaphore, #tpu.memory_space<semaphore_mem>>) src(%dma_wait3A_441 : memref<10000x8xf32, #tpu.memory_space<hbm>>) dst(%dma_wait3A_436 : memref<400x8xf32, #tpu.memory_space<vmem>>)
    %dma_wait3A_442 = arith.constant 1600 : i32
    %dma_wait3A_443 = arith.constant 0 : i32
    %dma_wait3A_444 = tpu.memref_slice %arg12[%dma_wait3A_442, %dma_wait3A_443] : memref<2000x8xf32, #tpu.memory_space<vmem>> -> memref<400x8xf32, #tpu.memory_space<vmem>>
    %dma_wait3A_445 = arith.constant 1600 : i32
    %dma_wait3A_446 = tpu.memref_slice %arg10[%dma_wait3A_445] : memref<2000xi32, #tpu.memory_space<vmem>> -> memref<400xi32, #tpu.memory_space<vmem>>
    %dma_wait3A_447 = arith.constant 0 : i32
    %dma_wait3A_448 = arith.constant 0 : i32
    %dma_wait3A_449 = tpu.memref_slice %arg3[%dma_wait3A_447, %dma_wait3A_448] : memref<10000x8xf32, #tpu.memory_space<hbm>> -> memref<10000x8xf32, #tpu.memory_space<hbm>>
    tpu.wait_indirect_dma semaphore(%arg19 : memref<!tpu.dma_semaphore, #tpu.memory_space<semaphore_mem>>) src(%dma_wait3A_449 : memref<10000x8xf32, #tpu.memory_space<hbm>>) dst(%dma_wait3A_444 : memref<400x8xf32, #tpu.memory_space<vmem>>)
    %dma_wait3A_450 = tpu.memref_slice %arg6[%add3A_229] : memref<320000xf32, #tpu.memory_space<hbm>> -> memref<2000xf32, #tpu.memory_space<hbm>>
    %dma_wait3A_451 = tpu.memref_slice %arg6[%add3A_229] : memref<320000xf32, #tpu.memory_space<hbm>> -> memref<2000xf32, #tpu.memory_space<hbm>>
    tpu.wait_dma2 semaphore(%arg20 : memref<!tpu.dma_semaphore, #tpu.memory_space<semaphore_mem>>) src(%arg14 : memref<2000xf32, #tpu.memory_space<vmem>>) dst(%dma_wait3A_451 : memref<2000xf32, #tpu.memory_space<hbm>>)
    %scan3A_452 = arith.constant 0 : i32
    %scan3A_453 = arith.constant 0 : i32
    %scan3A_454 = arith.constant 125 : i32
    %scan3A_455 = arith.addi %scan3A_453, %scan3A_454 : i32
    %scan3A_456 = arith.constant 1 : i32
    scf.for %scan3A_634 = %scan3A_453 to %scan3A_455 step %scan3A_456  : i32 {
      %mul3A_635 = arith.constant 16 : i32
      %mul3A_636 = arith.muli %scan3A_634, %mul3A_635 : i32
      %multiple_of3A_637 = tpu.assume_multiple %mul3A_636, 16 : i32
      %get3A = arith.index_cast %multiple_of3A_637 : i32 to index
      %get3A_638 = tpu.vector_load %arg8[%get3A] {strides = array<i32>} : memref<2000xi32, #tpu.memory_space<vmem>>, vector<16xi32>,
      %mul3A_639 = arith.constant 16 : i32
      %mul3A_640 = arith.muli %scan3A_634, %mul3A_639 : i32
      %add3A_641 = vector.broadcast %mul3A_640 : i32 to vector<16xi32>
      %add3A_642 = arith.addi %add3A_641, %iota3A : vector<16xi32>
      %gather3A_643 = tpu.vector_load_idx %arg7[%get3A_638, %and3A_7] : memref<10000x8xf32, #tpu.memory_space<vmem>>[vector<16xi32>, vector<16xi32>], vector<16xf32>,
      %gather3A_644 = tpu.vector_load_idx %arg12[%add3A_642, %and3A_7] : memref<2000x8xf32, #tpu.memory_space<vmem>>[vector<16xi32>, vector<16xi32>], vector<16xf32>,
      %add3A_645 = arith.addf %gather3A_643, %gather3A_644 : vector<16xf32>
      %max3A = arith.constant 0.000000e+00 : f32
      %max3A_646 = vector.broadcast %max3A : f32 to vector<16xf32>
      %max3A_647 = arith.maximumf %add3A_645, %max3A_646 : vector<16xf32>
      %mul3A_648 = arith.mulf %max3A_647, %gather3A : vector<16xf32>
      %gather3A_649 = tpu.vector_load_idx %arg7[%get3A_638, %and3A_13] : memref<10000x8xf32, #tpu.memory_space<vmem>>[vector<16xi32>, vector<16xi32>], vector<16xf32>,
      %gather3A_650 = tpu.vector_load_idx %arg12[%add3A_642, %and3A_13] : memref<2000x8xf32, #tpu.memory_space<vmem>>[vector<16xi32>, vector<16xi32>], vector<16xf32>,
      %add3A_651 = arith.addf %gather3A_649, %gather3A_650 : vector<16xf32>
      %max3A_652 = arith.constant 0.000000e+00 : f32
      %max3A_653 = vector.broadcast %max3A_652 : f32 to vector<16xf32>
      %max3A_654 = arith.maximumf %add3A_651, %max3A_653 : vector<16xf32>
      %mul3A_655 = arith.mulf %max3A_654, %gather3A_50 : vector<16xf32>
      %gather3A_656 = tpu.vector_load_idx %arg7[%get3A_638, %and3A_19] : memref<10000x8xf32, #tpu.memory_space<vmem>>[vector<16xi32>, vector<16xi32>], vector<16xf32>,
      %gather3A_657 = tpu.vector_load_idx %arg12[%add3A_642, %and3A_19] : memref<2000x8xf32, #tpu.memory_space<vmem>>[vector<16xi32>, vector<16xi32>], vector<16xf32>,
      %add3A_658 = arith.addf %gather3A_656, %gather3A_657 : vector<16xf32>
      %max3A_659 = arith.constant 0.000000e+00 : f32
      %max3A_660 = vector.broadcast %max3A_659 : f32 to vector<16xf32>
      %max3A_661 = arith.maximumf %add3A_658, %max3A_660 : vector<16xf32>
      %mul3A_662 = arith.mulf %max3A_661, %gather3A_51 : vector<16xf32>
      %gather3A_663 = tpu.vector_load_idx %arg7[%get3A_638, %and3A_25] : memref<10000x8xf32, #tpu.memory_space<vmem>>[vector<16xi32>, vector<16xi32>], vector<16xf32>,
      %gather3A_664 = tpu.vector_load_idx %arg12[%add3A_642, %and3A_25] : memref<2000x8xf32, #tpu.memory_space<vmem>>[vector<16xi32>, vector<16xi32>], vector<16xf32>,
      %add3A_665 = arith.addf %gather3A_663, %gather3A_664 : vector<16xf32>
      %max3A_666 = arith.constant 0.000000e+00 : f32
      %max3A_667 = vector.broadcast %max3A_666 : f32 to vector<16xf32>
      %max3A_668 = arith.maximumf %add3A_665, %max3A_667 : vector<16xf32>
      %mul3A_669 = arith.mulf %max3A_668, %gather3A_52 : vector<16xf32>
      %gather3A_670 = tpu.vector_load_idx %arg7[%get3A_638, %and3A_31] : memref<10000x8xf32, #tpu.memory_space<vmem>>[vector<16xi32>, vector<16xi32>], vector<16xf32>,
      %gather3A_671 = tpu.vector_load_idx %arg12[%add3A_642, %and3A_31] : memref<2000x8xf32, #tpu.memory_space<vmem>>[vector<16xi32>, vector<16xi32>], vector<16xf32>,
      %add3A_672 = arith.addf %gather3A_670, %gather3A_671 : vector<16xf32>
      %max3A_673 = arith.constant 0.000000e+00 : f32
      %max3A_674 = vector.broadcast %max3A_673 : f32 to vector<16xf32>
      %max3A_675 = arith.maximumf %add3A_672, %max3A_674 : vector<16xf32>
      %mul3A_676 = arith.mulf %max3A_675, %gather3A_53 : vector<16xf32>
      %gather3A_677 = tpu.vector_load_idx %arg7[%get3A_638, %and3A_37] : memref<10000x8xf32, #tpu.memory_space<vmem>>[vector<16xi32>, vector<16xi32>], vector<16xf32>,
      %gather3A_678 = tpu.vector_load_idx %arg12[%add3A_642, %and3A_37] : memref<2000x8xf32, #tpu.memory_space<vmem>>[vector<16xi32>, vector<16xi32>], vector<16xf32>,
      %add3A_679 = arith.addf %gather3A_677, %gather3A_678 : vector<16xf32>
      %max3A_680 = arith.constant 0.000000e+00 : f32
      %max3A_681 = vector.broadcast %max3A_680 : f32 to vector<16xf32>
      %max3A_682 = arith.maximumf %add3A_679, %max3A_681 : vector<16xf32>
      %mul3A_683 = arith.mulf %max3A_682, %gather3A_54 : vector<16xf32>
      %gather3A_684 = tpu.vector_load_idx %arg7[%get3A_638, %and3A_43] : memref<10000x8xf32, #tpu.memory_space<vmem>>[vector<16xi32>, vector<16xi32>], vector<16xf32>,
      %gather3A_685 = tpu.vector_load_idx %arg12[%add3A_642, %and3A_43] : memref<2000x8xf32, #tpu.memory_space<vmem>>[vector<16xi32>, vector<16xi32>], vector<16xf32>,
      %add3A_686 = arith.addf %gather3A_684, %gather3A_685 : vector<16xf32>
      %max3A_687 = arith.constant 0.000000e+00 : f32
      %max3A_688 = vector.broadcast %max3A_687 : f32 to vector<16xf32>
      %max3A_689 = arith.maximumf %add3A_686, %max3A_688 : vector<16xf32>
      %mul3A_690 = arith.mulf %max3A_689, %gather3A_55 : vector<16xf32>
      %gather3A_691 = tpu.vector_load_idx %arg7[%get3A_638, %and3A_49] : memref<10000x8xf32, #tpu.memory_space<vmem>>[vector<16xi32>, vector<16xi32>], vector<16xf32>,
      %gather3A_692 = tpu.vector_load_idx %arg12[%add3A_642, %and3A_49] : memref<2000x8xf32, #tpu.memory_space<vmem>>[vector<16xi32>, vector<16xi32>], vector<16xf32>,
      %add3A_693 = arith.addf %gather3A_691, %gather3A_692 : vector<16xf32>
      %max3A_694 = arith.constant 0.000000e+00 : f32
      %max3A_695 = vector.broadcast %max3A_694 : f32 to vector<16xf32>
      %max3A_696 = arith.maximumf %add3A_693, %max3A_695 : vector<16xf32>
      %mul3A_697 = arith.mulf %max3A_696, %gather3A_56 : vector<16xf32>
      %add3A_698 = arith.addf %mul3A_648, %mul3A_655 : vector<16xf32>
      %add3A_699 = arith.addf %mul3A_662, %mul3A_669 : vector<16xf32>
      %add3A_700 = arith.addf %mul3A_676, %mul3A_683 : vector<16xf32>
      %add3A_701 = arith.addf %mul3A_690, %mul3A_697 : vector<16xf32>
      %add3A_702 = arith.addf %add3A_698, %add3A_699 : vector<16xf32>
      %add3A_703 = arith.addf %add3A_700, %add3A_701 : vector<16xf32>
      %add3A_704 = arith.addf %add3A_702, %add3A_703 : vector<16xf32>
      %mul3A_705 = arith.constant 16 : i32
      %mul3A_706 = arith.muli %scan3A_634, %mul3A_705 : i32
      %multiple_of3A_707 = tpu.assume_multiple %mul3A_706, 16 : i32
      %swap3A = arith.index_cast %multiple_of3A_707 : i32 to index
      %swap3A_708 = tpu.vector_load %arg14[%swap3A] {strides = array<i32>} : memref<2000xf32, #tpu.memory_space<vmem>>, vector<16xf32>,
      tpu.vector_store %arg14[%swap3A], %add3A_704 {strides = array<i32>} : memref<2000xf32, #tpu.memory_space<vmem>>, vector<16xf32>,
    }
    %scan3A_457 = arith.constant 125 : i32
    %add3A_458 = arith.constant 4000 : i32
    %add3A_459 = arith.addi %multiple_of3A, %add3A_458 : i32
    %dma_start3A_460 = tpu.memref_slice %arg6[%add3A_459] : memref<320000xf32, #tpu.memory_space<hbm>> -> memref<2000xf32, #tpu.memory_space<hbm>>
    %dma_start3A_461 = tpu.memref_slice %arg6[%add3A_459] : memref<320000xf32, #tpu.memory_space<hbm>> -> memref<2000xf32, #tpu.memory_space<hbm>>
    tpu.enqueue_dma source(%arg14 : memref<2000xf32, #tpu.memory_space<vmem>>) target(%dma_start3A_461 : memref<2000xf32, #tpu.memory_space<hbm>>) target_semaphore(%arg20 : memref<!tpu.dma_semaphore, #tpu.memory_space<semaphore_mem>>)
    %add3A_462 = arith.constant 8000 : i32
    %add3A_463 = arith.addi %multiple_of3A, %add3A_462 : i32
    %dma_start3A_464 = arith.constant 0 : i32
    %dma_start3A_465 = tpu.memref_slice %arg4[%dma_start3A_464, %add3A_463] : memref<2x320000xi32, #tpu.memory_space<hbm>> -> memref<1x2000xi32, #tpu.memory_space<hbm>>
    %dma_start3A_466 = tpu.memref_squeeze %dma_start3A_465 : memref<1x2000xi32, #tpu.memory_space<hbm>> -> memref<2000xi32, #tpu.memory_space<hbm>>
    %dma_start3A_467 = tpu.memref_slice %arg4[%dma_start3A_464, %add3A_463] : memref<2x320000xi32, #tpu.memory_space<hbm>> -> memref<1x2000xi32, #tpu.memory_space<hbm>>
    %dma_start3A_468 = tpu.memref_squeeze %dma_start3A_467 : memref<1x2000xi32, #tpu.memory_space<hbm>> -> memref<2000xi32, #tpu.memory_space<hbm>>
    tpu.enqueue_dma source(%dma_start3A_468 : memref<2000xi32, #tpu.memory_space<hbm>>) target(%arg8 : memref<2000xi32, #tpu.memory_space<vmem>>) target_semaphore(%arg18 : memref<!tpu.dma_semaphore, #tpu.memory_space<semaphore_mem>>)
    %add3A_469 = arith.constant 8000 : i32
    %add3A_470 = arith.addi %multiple_of3A, %add3A_469 : i32
    %dma_start3A_471 = arith.constant 1 : i32
    %dma_start3A_472 = tpu.memref_slice %arg4[%dma_start3A_471, %add3A_470] : memref<2x320000xi32, #tpu.memory_space<hbm>> -> memref<1x2000xi32, #tpu.memory_space<hbm>>
    %dma_start3A_473 = tpu.memref_squeeze %dma_start3A_472 : memref<1x2000xi32, #tpu.memory_space<hbm>> -> memref<2000xi32, #tpu.memory_space<hbm>>
    %dma_start3A_474 = tpu.memref_slice %arg4[%dma_start3A_471, %add3A_470] : memref<2x320000xi32, #tpu.memory_space<hbm>> -> memref<1x2000xi32, #tpu.memory_space<hbm>>
    %dma_start3A_475 = tpu.memref_squeeze %dma_start3A_474 : memref<1x2000xi32, #tpu.memory_space<hbm>> -> memref<2000xi32, #tpu.memory_space<hbm>>
    tpu.enqueue_dma source(%dma_start3A_475 : memref<2000xi32, #tpu.memory_space<hbm>>) target(%arg10 : memref<2000xi32, #tpu.memory_space<vmem>>) target_semaphore(%arg18 : memref<!tpu.dma_semaphore, #tpu.memory_space<semaphore_mem>>)
    %dma_wait3A_476 = arith.constant 0 : i32
    %dma_wait3A_477 = tpu.memref_slice %arg4[%dma_wait3A_476, %add3A_463] : memref<2x320000xi32, #tpu.memory_space<hbm>> -> memref<1x2000xi32, #tpu.memory_space<hbm>>
    %dma_wait3A_478 = tpu.memref_squeeze %dma_wait3A_477 : memref<1x2000xi32, #tpu.memory_space<hbm>> -> memref<2000xi32, #tpu.memory_space<hbm>>
    %dma_wait3A_479 = tpu.memref_slice %arg4[%dma_wait3A_476, %add3A_463] : memref<2x320000xi32, #tpu.memory_space<hbm>> -> memref<1x2000xi32, #tpu.memory_space<hbm>>
    %dma_wait3A_480 = tpu.memref_squeeze %dma_wait3A_479 : memref<1x2000xi32, #tpu.memory_space<hbm>> -> memref<2000xi32, #tpu.memory_space<hbm>>
    tpu.wait_dma2 semaphore(%arg18 : memref<!tpu.dma_semaphore, #tpu.memory_space<semaphore_mem>>) src(%dma_wait3A_480 : memref<2000xi32, #tpu.memory_space<hbm>>) dst(%arg8 : memref<2000xi32, #tpu.memory_space<vmem>>)
    %dma_wait3A_481 = arith.constant 1 : i32
    %dma_wait3A_482 = tpu.memref_slice %arg4[%dma_wait3A_481, %add3A_470] : memref<2x320000xi32, #tpu.memory_space<hbm>> -> memref<1x2000xi32, #tpu.memory_space<hbm>>
    %dma_wait3A_483 = tpu.memref_squeeze %dma_wait3A_482 : memref<1x2000xi32, #tpu.memory_space<hbm>> -> memref<2000xi32, #tpu.memory_space<hbm>>
    %dma_wait3A_484 = tpu.memref_slice %arg4[%dma_wait3A_481, %add3A_470] : memref<2x320000xi32, #tpu.memory_space<hbm>> -> memref<1x2000xi32, #tpu.memory_space<hbm>>
    %dma_wait3A_485 = tpu.memref_squeeze %dma_wait3A_484 : memref<1x2000xi32, #tpu.memory_space<hbm>> -> memref<2000xi32, #tpu.memory_space<hbm>>
    tpu.wait_dma2 semaphore(%arg18 : memref<!tpu.dma_semaphore, #tpu.memory_space<semaphore_mem>>) src(%dma_wait3A_485 : memref<2000xi32, #tpu.memory_space<hbm>>) dst(%arg10 : memref<2000xi32, #tpu.memory_space<vmem>>)
    %dma_start3A_486 = arith.constant 0 : i32
    %dma_start3A_487 = arith.constant 0 : i32
    %dma_start3A_488 = tpu.memref_slice %arg12[%dma_start3A_486, %dma_start3A_487] : memref<2000x8xf32, #tpu.memory_space<vmem>> -> memref<400x8xf32, #tpu.memory_space<vmem>>
    %dma_start3A_489 = arith.constant 0 : i32
    %dma_start3A_490 = tpu.memref_slice %arg10[%dma_start3A_489] : memref<2000xi32, #tpu.memory_space<vmem>> -> memref<400xi32, #tpu.memory_space<vmem>>
    %dma_start3A_491 = arith.constant 0 : i32
    %dma_start3A_492 = arith.constant 0 : i32
    %dma_start3A_493 = tpu.memref_slice %arg3[%dma_start3A_491, %dma_start3A_492] : memref<10000x8xf32, #tpu.memory_space<hbm>> -> memref<10000x8xf32, #tpu.memory_space<hbm>>
    tpu.enqueue_indirect_dma source(%dma_start3A_493 : memref<10000x8xf32, #tpu.memory_space<hbm>>) target(%dma_start3A_488 : memref<400x8xf32, #tpu.memory_space<vmem>>) offsets(%dma_start3A_490 : memref<400xi32, #tpu.memory_space<vmem>>) semaphore(%arg19 : memref<!tpu.dma_semaphore, #tpu.memory_space<semaphore_mem>>)
    %dma_start3A_494 = arith.constant 400 : i32
    %dma_start3A_495 = arith.constant 0 : i32
    %dma_start3A_496 = tpu.memref_slice %arg12[%dma_start3A_494, %dma_start3A_495] : memref<2000x8xf32, #tpu.memory_space<vmem>> -> memref<400x8xf32, #tpu.memory_space<vmem>>
    %dma_start3A_497 = arith.constant 400 : i32
    %dma_start3A_498 = tpu.memref_slice %arg10[%dma_start3A_497] : memref<2000xi32, #tpu.memory_space<vmem>> -> memref<400xi32, #tpu.memory_space<vmem>>
    %dma_start3A_499 = arith.constant 0 : i32
    %dma_start3A_500 = arith.constant 0 : i32
    %dma_start3A_501 = tpu.memref_slice %arg3[%dma_start3A_499, %dma_start3A_500] : memref<10000x8xf32, #tpu.memory_space<hbm>> -> memref<10000x8xf32, #tpu.memory_space<hbm>>
    tpu.enqueue_indirect_dma source(%dma_start3A_501 : memref<10000x8xf32, #tpu.memory_space<hbm>>) target(%dma_start3A_496 : memref<400x8xf32, #tpu.memory_space<vmem>>) offsets(%dma_start3A_498 : memref<400xi32, #tpu.memory_space<vmem>>) semaphore(%arg19 : memref<!tpu.dma_semaphore, #tpu.memory_space<semaphore_mem>>)
    %dma_start3A_502 = arith.constant 800 : i32
    %dma_start3A_503 = arith.constant 0 : i32
    %dma_start3A_504 = tpu.memref_slice %arg12[%dma_start3A_502, %dma_start3A_503] : memref<2000x8xf32, #tpu.memory_space<vmem>> -> memref<400x8xf32, #tpu.memory_space<vmem>>
    %dma_start3A_505 = arith.constant 800 : i32
    %dma_start3A_506 = tpu.memref_slice %arg10[%dma_start3A_505] : memref<2000xi32, #tpu.memory_space<vmem>> -> memref<400xi32, #tpu.memory_space<vmem>>
    %dma_start3A_507 = arith.constant 0 : i32
    %dma_start3A_508 = arith.constant 0 : i32
    %dma_start3A_509 = tpu.memref_slice %arg3[%dma_start3A_507, %dma_start3A_508] : memref<10000x8xf32, #tpu.memory_space<hbm>> -> memref<10000x8xf32, #tpu.memory_space<hbm>>
    tpu.enqueue_indirect_dma source(%dma_start3A_509 : memref<10000x8xf32, #tpu.memory_space<hbm>>) target(%dma_start3A_504 : memref<400x8xf32, #tpu.memory_space<vmem>>) offsets(%dma_start3A_506 : memref<400xi32, #tpu.memory_space<vmem>>) semaphore(%arg19 : memref<!tpu.dma_semaphore, #tpu.memory_space<semaphore_mem>>)
    %dma_start3A_510 = arith.constant 1200 : i32
    %dma_start3A_511 = arith.constant 0 : i32
    %dma_start3A_512 = tpu.memref_slice %arg12[%dma_start3A_510, %dma_start3A_511] : memref<2000x8xf32, #tpu.memory_space<vmem>> -> memref<400x8xf32, #tpu.memory_space<vmem>>
    %dma_start3A_513 = arith.constant 1200 : i32
    %dma_start3A_514 = tpu.memref_slice %arg10[%dma_start3A_513] : memref<2000xi32, #tpu.memory_space<vmem>> -> memref<400xi32, #tpu.memory_space<vmem>>
    %dma_start3A_515 = arith.constant 0 : i32
    %dma_start3A_516 = arith.constant 0 : i32
    %dma_start3A_517 = tpu.memref_slice %arg3[%dma_start3A_515, %dma_start3A_516] : memref<10000x8xf32, #tpu.memory_space<hbm>> -> memref<10000x8xf32, #tpu.memory_space<hbm>>
    tpu.enqueue_indirect_dma source(%dma_start3A_517 : memref<10000x8xf32, #tpu.memory_space<hbm>>) target(%dma_start3A_512 : memref<400x8xf32, #tpu.memory_space<vmem>>) offsets(%dma_start3A_514 : memref<400xi32, #tpu.memory_space<vmem>>) semaphore(%arg19 : memref<!tpu.dma_semaphore, #tpu.memory_space<semaphore_mem>>)
    %dma_start3A_518 = arith.constant 1600 : i32
    %dma_start3A_519 = arith.constant 0 : i32
    %dma_start3A_520 = tpu.memref_slice %arg12[%dma_start3A_518, %dma_start3A_519] : memref<2000x8xf32, #tpu.memory_space<vmem>> -> memref<400x8xf32, #tpu.memory_space<vmem>>
    %dma_start3A_521 = arith.constant 1600 : i32
    %dma_start3A_522 = tpu.memref_slice %arg10[%dma_start3A_521] : memref<2000xi32, #tpu.memory_space<vmem>> -> memref<400xi32, #tpu.memory_space<vmem>>
    %dma_start3A_523 = arith.constant 0 : i32
    %dma_start3A_524 = arith.constant 0 : i32
    %dma_start3A_525 = tpu.memref_slice %arg3[%dma_start3A_523, %dma_start3A_524] : memref<10000x8xf32, #tpu.memory_space<hbm>> -> memref<10000x8xf32, #tpu.memory_space<hbm>>
    tpu.enqueue_indirect_dma source(%dma_start3A_525 : memref<10000x8xf32, #tpu.memory_space<hbm>>) target(%dma_start3A_520 : memref<400x8xf32, #tpu.memory_space<vmem>>) offsets(%dma_start3A_522 : memref<400xi32, #tpu.memory_space<vmem>>) semaphore(%arg19 : memref<!tpu.dma_semaphore, #tpu.memory_space<semaphore_mem>>)
    %dma_wait3A_526 = arith.constant 0 : i32
    %dma_wait3A_527 = arith.constant 0 : i32
    %dma_wait3A_528 = tpu.memref_slice %arg13[%dma_wait3A_526, %dma_wait3A_527] : memref<2000x8xf32, #tpu.memory_space<vmem>> -> memref<400x8xf32, #tpu.memory_space<vmem>>
    %dma_wait3A_529 = arith.constant 0 : i32
    %dma_wait3A_530 = tpu.memref_slice %arg11[%dma_wait3A_529] : memref<2000xi32, #tpu.memory_space<vmem>> -> memref<400xi32, #tpu.memory_space<vmem>>
    %dma_wait3A_531 = arith.constant 0 : i32
    %dma_wait3A_532 = arith.constant 0 : i32
    %dma_wait3A_533 = tpu.memref_slice %arg3[%dma_wait3A_531, %dma_wait3A_532] : memref<10000x8xf32, #tpu.memory_space<hbm>> -> memref<10000x8xf32, #tpu.memory_space<hbm>>
    tpu.wait_indirect_dma semaphore(%arg19 : memref<!tpu.dma_semaphore, #tpu.memory_space<semaphore_mem>>) src(%dma_wait3A_533 : memref<10000x8xf32, #tpu.memory_space<hbm>>) dst(%dma_wait3A_528 : memref<400x8xf32, #tpu.memory_space<vmem>>)
    %dma_wait3A_534 = arith.constant 400 : i32
    %dma_wait3A_535 = arith.constant 0 : i32
    %dma_wait3A_536 = tpu.memref_slice %arg13[%dma_wait3A_534, %dma_wait3A_535] : memref<2000x8xf32, #tpu.memory_space<vmem>> -> memref<400x8xf32, #tpu.memory_space<vmem>>
    %dma_wait3A_537 = arith.constant 400 : i32
    %dma_wait3A_538 = tpu.memref_slice %arg11[%dma_wait3A_537] : memref<2000xi32, #tpu.memory_space<vmem>> -> memref<400xi32, #tpu.memory_space<vmem>>
    %dma_wait3A_539 = arith.constant 0 : i32
    %dma_wait3A_540 = arith.constant 0 : i32
    %dma_wait3A_541 = tpu.memref_slice %arg3[%dma_wait3A_539, %dma_wait3A_540] : memref<10000x8xf32, #tpu.memory_space<hbm>> -> memref<10000x8xf32, #tpu.memory_space<hbm>>
    tpu.wait_indirect_dma semaphore(%arg19 : memref<!tpu.dma_semaphore, #tpu.memory_space<semaphore_mem>>) src(%dma_wait3A_541 : memref<10000x8xf32, #tpu.memory_space<hbm>>) dst(%dma_wait3A_536 : memref<400x8xf32, #tpu.memory_space<vmem>>)
    %dma_wait3A_542 = arith.constant 800 : i32
    %dma_wait3A_543 = arith.constant 0 : i32
    %dma_wait3A_544 = tpu.memref_slice %arg13[%dma_wait3A_542, %dma_wait3A_543] : memref<2000x8xf32, #tpu.memory_space<vmem>> -> memref<400x8xf32, #tpu.memory_space<vmem>>
    %dma_wait3A_545 = arith.constant 800 : i32
    %dma_wait3A_546 = tpu.memref_slice %arg11[%dma_wait3A_545] : memref<2000xi32, #tpu.memory_space<vmem>> -> memref<400xi32, #tpu.memory_space<vmem>>
    %dma_wait3A_547 = arith.constant 0 : i32
    %dma_wait3A_548 = arith.constant 0 : i32
    %dma_wait3A_549 = tpu.memref_slice %arg3[%dma_wait3A_547, %dma_wait3A_548] : memref<10000x8xf32, #tpu.memory_space<hbm>> -> memref<10000x8xf32, #tpu.memory_space<hbm>>
    tpu.wait_indirect_dma semaphore(%arg19 : memref<!tpu.dma_semaphore, #tpu.memory_space<semaphore_mem>>) src(%dma_wait3A_549 : memref<10000x8xf32, #tpu.memory_space<hbm>>) dst(%dma_wait3A_544 : memref<400x8xf32, #tpu.memory_space<vmem>>)
    %dma_wait3A_550 = arith.constant 1200 : i32
    %dma_wait3A_551 = arith.constant 0 : i32
    %dma_wait3A_552 = tpu.memref_slice %arg13[%dma_wait3A_550, %dma_wait3A_551] : memref<2000x8xf32, #tpu.memory_space<vmem>> -> memref<400x8xf32, #tpu.memory_space<vmem>>
    %dma_wait3A_553 = arith.constant 1200 : i32
    %dma_wait3A_554 = tpu.memref_slice %arg11[%dma_wait3A_553] : memref<2000xi32, #tpu.memory_space<vmem>> -> memref<400xi32, #tpu.memory_space<vmem>>
    %dma_wait3A_555 = arith.constant 0 : i32
    %dma_wait3A_556 = arith.constant 0 : i32
    %dma_wait3A_557 = tpu.memref_slice %arg3[%dma_wait3A_555, %dma_wait3A_556] : memref<10000x8xf32, #tpu.memory_space<hbm>> -> memref<10000x8xf32, #tpu.memory_space<hbm>>
    tpu.wait_indirect_dma semaphore(%arg19 : memref<!tpu.dma_semaphore, #tpu.memory_space<semaphore_mem>>) src(%dma_wait3A_557 : memref<10000x8xf32, #tpu.memory_space<hbm>>) dst(%dma_wait3A_552 : memref<400x8xf32, #tpu.memory_space<vmem>>)
    %dma_wait3A_558 = arith.constant 1600 : i32
    %dma_wait3A_559 = arith.constant 0 : i32
    %dma_wait3A_560 = tpu.memref_slice %arg13[%dma_wait3A_558, %dma_wait3A_559] : memref<2000x8xf32, #tpu.memory_space<vmem>> -> memref<400x8xf32, #tpu.memory_space<vmem>>
    %dma_wait3A_561 = arith.constant 1600 : i32
    %dma_wait3A_562 = tpu.memref_slice %arg11[%dma_wait3A_561] : memref<2000xi32, #tpu.memory_space<vmem>> -> memref<400xi32, #tpu.memory_space<vmem>>
    %dma_wait3A_563 = arith.constant 0 : i32
    %dma_wait3A_564 = arith.constant 0 : i32
    %dma_wait3A_565 = tpu.memref_slice %arg3[%dma_wait3A_563, %dma_wait3A_564] : memref<10000x8xf32, #tpu.memory_space<hbm>> -> memref<10000x8xf32, #tpu.memory_space<hbm>>
    tpu.wait_indirect_dma semaphore(%arg19 : memref<!tpu.dma_semaphore, #tpu.memory_space<semaphore_mem>>) src(%dma_wait3A_565 : memref<10000x8xf32, #tpu.memory_space<hbm>>) dst(%dma_wait3A_560 : memref<400x8xf32, #tpu.memory_space<vmem>>)
    %dma_wait3A_566 = tpu.memref_slice %arg6[%add3A_343] : memref<320000xf32, #tpu.memory_space<hbm>> -> memref<2000xf32, #tpu.memory_space<hbm>>
    %dma_wait3A_567 = tpu.memref_slice %arg6[%add3A_343] : memref<320000xf32, #tpu.memory_space<hbm>> -> memref<2000xf32, #tpu.memory_space<hbm>>
    tpu.wait_dma2 semaphore(%arg20 : memref<!tpu.dma_semaphore, #tpu.memory_space<semaphore_mem>>) src(%arg15 : memref<2000xf32, #tpu.memory_space<vmem>>) dst(%dma_wait3A_567 : memref<2000xf32, #tpu.memory_space<hbm>>)
    %scan3A_568 = arith.constant 0 : i32
    %scan3A_569 = arith.constant 0 : i32
    %scan3A_570 = arith.constant 125 : i32
    %scan3A_571 = arith.addi %scan3A_569, %scan3A_570 : i32
    %scan3A_572 = arith.constant 1 : i32
    scf.for %scan3A_634 = %scan3A_569 to %scan3A_571 step %scan3A_572  : i32 {
      %mul3A_635 = arith.constant 16 : i32
      %mul3A_636 = arith.muli %scan3A_634, %mul3A_635 : i32
      %multiple_of3A_637 = tpu.assume_multiple %mul3A_636, 16 : i32
      %get3A = arith.index_cast %multiple_of3A_637 : i32 to index
      %get3A_638 = tpu.vector_load %arg9[%get3A] {strides = array<i32>} : memref<2000xi32, #tpu.memory_space<vmem>>, vector<16xi32>,
      %mul3A_639 = arith.constant 16 : i32
      %mul3A_640 = arith.muli %scan3A_634, %mul3A_639 : i32
      %add3A_641 = vector.broadcast %mul3A_640 : i32 to vector<16xi32>
      %add3A_642 = arith.addi %add3A_641, %iota3A : vector<16xi32>
      %gather3A_643 = tpu.vector_load_idx %arg7[%get3A_638, %and3A_7] : memref<10000x8xf32, #tpu.memory_space<vmem>>[vector<16xi32>, vector<16xi32>], vector<16xf32>,
      %gather3A_644 = tpu.vector_load_idx %arg13[%add3A_642, %and3A_7] : memref<2000x8xf32, #tpu.memory_space<vmem>>[vector<16xi32>, vector<16xi32>], vector<16xf32>,
      %add3A_645 = arith.addf %gather3A_643, %gather3A_644 : vector<16xf32>
      %max3A = arith.constant 0.000000e+00 : f32
      %max3A_646 = vector.broadcast %max3A : f32 to vector<16xf32>
      %max3A_647 = arith.maximumf %add3A_645, %max3A_646 : vector<16xf32>
      %mul3A_648 = arith.mulf %max3A_647, %gather3A : vector<16xf32>
      %gather3A_649 = tpu.vector_load_idx %arg7[%get3A_638, %and3A_13] : memref<10000x8xf32, #tpu.memory_space<vmem>>[vector<16xi32>, vector<16xi32>], vector<16xf32>,
      %gather3A_650 = tpu.vector_load_idx %arg13[%add3A_642, %and3A_13] : memref<2000x8xf32, #tpu.memory_space<vmem>>[vector<16xi32>, vector<16xi32>], vector<16xf32>,
      %add3A_651 = arith.addf %gather3A_649, %gather3A_650 : vector<16xf32>
      %max3A_652 = arith.constant 0.000000e+00 : f32
      %max3A_653 = vector.broadcast %max3A_652 : f32 to vector<16xf32>
      %max3A_654 = arith.maximumf %add3A_651, %max3A_653 : vector<16xf32>
      %mul3A_655 = arith.mulf %max3A_654, %gather3A_50 : vector<16xf32>
      %gather3A_656 = tpu.vector_load_idx %arg7[%get3A_638, %and3A_19] : memref<10000x8xf32, #tpu.memory_space<vmem>>[vector<16xi32>, vector<16xi32>], vector<16xf32>,
      %gather3A_657 = tpu.vector_load_idx %arg13[%add3A_642, %and3A_19] : memref<2000x8xf32, #tpu.memory_space<vmem>>[vector<16xi32>, vector<16xi32>], vector<16xf32>,
      %add3A_658 = arith.addf %gather3A_656, %gather3A_657 : vector<16xf32>
      %max3A_659 = arith.constant 0.000000e+00 : f32
      %max3A_660 = vector.broadcast %max3A_659 : f32 to vector<16xf32>
      %max3A_661 = arith.maximumf %add3A_658, %max3A_660 : vector<16xf32>
      %mul3A_662 = arith.mulf %max3A_661, %gather3A_51 : vector<16xf32>
      %gather3A_663 = tpu.vector_load_idx %arg7[%get3A_638, %and3A_25] : memref<10000x8xf32, #tpu.memory_space<vmem>>[vector<16xi32>, vector<16xi32>], vector<16xf32>,
      %gather3A_664 = tpu.vector_load_idx %arg13[%add3A_642, %and3A_25] : memref<2000x8xf32, #tpu.memory_space<vmem>>[vector<16xi32>, vector<16xi32>], vector<16xf32>,
      %add3A_665 = arith.addf %gather3A_663, %gather3A_664 : vector<16xf32>
      %max3A_666 = arith.constant 0.000000e+00 : f32
      %max3A_667 = vector.broadcast %max3A_666 : f32 to vector<16xf32>
      %max3A_668 = arith.maximumf %add3A_665, %max3A_667 : vector<16xf32>
      %mul3A_669 = arith.mulf %max3A_668, %gather3A_52 : vector<16xf32>
      %gather3A_670 = tpu.vector_load_idx %arg7[%get3A_638, %and3A_31] : memref<10000x8xf32, #tpu.memory_space<vmem>>[vector<16xi32>, vector<16xi32>], vector<16xf32>,
      %gather3A_671 = tpu.vector_load_idx %arg13[%add3A_642, %and3A_31] : memref<2000x8xf32, #tpu.memory_space<vmem>>[vector<16xi32>, vector<16xi32>], vector<16xf32>,
      %add3A_672 = arith.addf %gather3A_670, %gather3A_671 : vector<16xf32>
      %max3A_673 = arith.constant 0.000000e+00 : f32
      %max3A_674 = vector.broadcast %max3A_673 : f32 to vector<16xf32>
      %max3A_675 = arith.maximumf %add3A_672, %max3A_674 : vector<16xf32>
      %mul3A_676 = arith.mulf %max3A_675, %gather3A_53 : vector<16xf32>
      %gather3A_677 = tpu.vector_load_idx %arg7[%get3A_638, %and3A_37] : memref<10000x8xf32, #tpu.memory_space<vmem>>[vector<16xi32>, vector<16xi32>], vector<16xf32>,
      %gather3A_678 = tpu.vector_load_idx %arg13[%add3A_642, %and3A_37] : memref<2000x8xf32, #tpu.memory_space<vmem>>[vector<16xi32>, vector<16xi32>], vector<16xf32>,
      %add3A_679 = arith.addf %gather3A_677, %gather3A_678 : vector<16xf32>
      %max3A_680 = arith.constant 0.000000e+00 : f32
      %max3A_681 = vector.broadcast %max3A_680 : f32 to vector<16xf32>
      %max3A_682 = arith.maximumf %add3A_679, %max3A_681 : vector<16xf32>
      %mul3A_683 = arith.mulf %max3A_682, %gather3A_54 : vector<16xf32>
      %gather3A_684 = tpu.vector_load_idx %arg7[%get3A_638, %and3A_43] : memref<10000x8xf32, #tpu.memory_space<vmem>>[vector<16xi32>, vector<16xi32>], vector<16xf32>,
      %gather3A_685 = tpu.vector_load_idx %arg13[%add3A_642, %and3A_43] : memref<2000x8xf32, #tpu.memory_space<vmem>>[vector<16xi32>, vector<16xi32>], vector<16xf32>,
      %add3A_686 = arith.addf %gather3A_684, %gather3A_685 : vector<16xf32>
      %max3A_687 = arith.constant 0.000000e+00 : f32
      %max3A_688 = vector.broadcast %max3A_687 : f32 to vector<16xf32>
      %max3A_689 = arith.maximumf %add3A_686, %max3A_688 : vector<16xf32>
      %mul3A_690 = arith.mulf %max3A_689, %gather3A_55 : vector<16xf32>
      %gather3A_691 = tpu.vector_load_idx %arg7[%get3A_638, %and3A_49] : memref<10000x8xf32, #tpu.memory_space<vmem>>[vector<16xi32>, vector<16xi32>], vector<16xf32>,
      %gather3A_692 = tpu.vector_load_idx %arg13[%add3A_642, %and3A_49] : memref<2000x8xf32, #tpu.memory_space<vmem>>[vector<16xi32>, vector<16xi32>], vector<16xf32>,
      %add3A_693 = arith.addf %gather3A_691, %gather3A_692 : vector<16xf32>
      %max3A_694 = arith.constant 0.000000e+00 : f32
      %max3A_695 = vector.broadcast %max3A_694 : f32 to vector<16xf32>
      %max3A_696 = arith.maximumf %add3A_693, %max3A_695 : vector<16xf32>
      %mul3A_697 = arith.mulf %max3A_696, %gather3A_56 : vector<16xf32>
      %add3A_698 = arith.addf %mul3A_648, %mul3A_655 : vector<16xf32>
      %add3A_699 = arith.addf %mul3A_662, %mul3A_669 : vector<16xf32>
      %add3A_700 = arith.addf %mul3A_676, %mul3A_683 : vector<16xf32>
      %add3A_701 = arith.addf %mul3A_690, %mul3A_697 : vector<16xf32>
      %add3A_702 = arith.addf %add3A_698, %add3A_699 : vector<16xf32>
      %add3A_703 = arith.addf %add3A_700, %add3A_701 : vector<16xf32>
      %add3A_704 = arith.addf %add3A_702, %add3A_703 : vector<16xf32>
      %mul3A_705 = arith.constant 16 : i32
      %mul3A_706 = arith.muli %scan3A_634, %mul3A_705 : i32
      %multiple_of3A_707 = tpu.assume_multiple %mul3A_706, 16 : i32
      %swap3A = arith.index_cast %multiple_of3A_707 : i32 to index
      %swap3A_708 = tpu.vector_load %arg15[%swap3A] {strides = array<i32>} : memref<2000xf32, #tpu.memory_space<vmem>>, vector<16xf32>,
      tpu.vector_store %arg15[%swap3A], %add3A_704 {strides = array<i32>} : memref<2000xf32, #tpu.memory_space<vmem>>, vector<16xf32>,
    }
    %scan3A_573 = arith.constant 125 : i32
    %add3A_574 = arith.constant 6000 : i32
    %add3A_575 = arith.addi %multiple_of3A, %add3A_574 : i32
    %dma_start3A_576 = tpu.memref_slice %arg6[%add3A_575] : memref<320000xf32, #tpu.memory_space<hbm>> -> memref<2000xf32, #tpu.memory_space<hbm>>
    %dma_start3A_577 = tpu.memref_slice %arg6[%add3A_575] : memref<320000xf32, #tpu.memory_space<hbm>> -> memref<2000xf32, #tpu.memory_space<hbm>>
    tpu.enqueue_dma source(%arg15 : memref<2000xf32, #tpu.memory_space<vmem>>) target(%dma_start3A_577 : memref<2000xf32, #tpu.memory_space<hbm>>) target_semaphore(%arg20 : memref<!tpu.dma_semaphore, #tpu.memory_space<semaphore_mem>>)
    %dma_wait3A_578 = arith.constant 0 : i32
    %dma_wait3A_579 = arith.constant 0 : i32
    %dma_wait3A_580 = tpu.memref_slice %arg12[%dma_wait3A_578, %dma_wait3A_579] : memref<2000x8xf32, #tpu.memory_space<vmem>> -> memref<400x8xf32, #tpu.memory_space<vmem>>
    %dma_wait3A_581 = arith.constant 0 : i32
    %dma_wait3A_582 = tpu.memref_slice %arg10[%dma_wait3A_581] : memref<2000xi32, #tpu.memory_space<vmem>> -> memref<400xi32, #tpu.memory_space<vmem>>
    %dma_wait3A_583 = arith.constant 0 : i32
    %dma_wait3A_584 = arith.constant 0 : i32
    %dma_wait3A_585 = tpu.memref_slice %arg3[%dma_wait3A_583, %dma_wait3A_584] : memref<10000x8xf32, #tpu.memory_space<hbm>> -> memref<10000x8xf32, #tpu.memory_space<hbm>>
    tpu.wait_indirect_dma semaphore(%arg19 : memref<!tpu.dma_semaphore, #tpu.memory_space<semaphore_mem>>) src(%dma_wait3A_585 : memref<10000x8xf32, #tpu.memory_space<hbm>>) dst(%dma_wait3A_580 : memref<400x8xf32, #tpu.memory_space<vmem>>)
    %dma_wait3A_586 = arith.constant 400 : i32
    %dma_wait3A_587 = arith.constant 0 : i32
    %dma_wait3A_588 = tpu.memref_slice %arg12[%dma_wait3A_586, %dma_wait3A_587] : memref<2000x8xf32, #tpu.memory_space<vmem>> -> memref<400x8xf32, #tpu.memory_space<vmem>>
    %dma_wait3A_589 = arith.constant 400 : i32
    %dma_wait3A_590 = tpu.memref_slice %arg10[%dma_wait3A_589] : memref<2000xi32, #tpu.memory_space<vmem>> -> memref<400xi32, #tpu.memory_space<vmem>>
    %dma_wait3A_591 = arith.constant 0 : i32
    %dma_wait3A_592 = arith.constant 0 : i32
    %dma_wait3A_593 = tpu.memref_slice %arg3[%dma_wait3A_591, %dma_wait3A_592] : memref<10000x8xf32, #tpu.memory_space<hbm>> -> memref<10000x8xf32, #tpu.memory_space<hbm>>
    tpu.wait_indirect_dma semaphore(%arg19 : memref<!tpu.dma_semaphore, #tpu.memory_space<semaphore_mem>>) src(%dma_wait3A_593 : memref<10000x8xf32, #tpu.memory_space<hbm>>) dst(%dma_wait3A_588 : memref<400x8xf32, #tpu.memory_space<vmem>>)
    %dma_wait3A_594 = arith.constant 800 : i32
    %dma_wait3A_595 = arith.constant 0 : i32
    %dma_wait3A_596 = tpu.memref_slice %arg12[%dma_wait3A_594, %dma_wait3A_595] : memref<2000x8xf32, #tpu.memory_space<vmem>> -> memref<400x8xf32, #tpu.memory_space<vmem>>
    %dma_wait3A_597 = arith.constant 800 : i32
    %dma_wait3A_598 = tpu.memref_slice %arg10[%dma_wait3A_597] : memref<2000xi32, #tpu.memory_space<vmem>> -> memref<400xi32, #tpu.memory_space<vmem>>
    %dma_wait3A_599 = arith.constant 0 : i32
    %dma_wait3A_600 = arith.constant 0 : i32
    %dma_wait3A_601 = tpu.memref_slice %arg3[%dma_wait3A_599, %dma_wait3A_600] : memref<10000x8xf32, #tpu.memory_space<hbm>> -> memref<10000x8xf32, #tpu.memory_space<hbm>>
    tpu.wait_indirect_dma semaphore(%arg19 : memref<!tpu.dma_semaphore, #tpu.memory_space<semaphore_mem>>) src(%dma_wait3A_601 : memref<10000x8xf32, #tpu.memory_space<hbm>>) dst(%dma_wait3A_596 : memref<400x8xf32, #tpu.memory_space<vmem>>)
    %dma_wait3A_602 = arith.constant 1200 : i32
    %dma_wait3A_603 = arith.constant 0 : i32
    %dma_wait3A_604 = tpu.memref_slice %arg12[%dma_wait3A_602, %dma_wait3A_603] : memref<2000x8xf32, #tpu.memory_space<vmem>> -> memref<400x8xf32, #tpu.memory_space<vmem>>
    %dma_wait3A_605 = arith.constant 1200 : i32
    %dma_wait3A_606 = tpu.memref_slice %arg10[%dma_wait3A_605] : memref<2000xi32, #tpu.memory_space<vmem>> -> memref<400xi32, #tpu.memory_space<vmem>>
    %dma_wait3A_607 = arith.constant 0 : i32
    %dma_wait3A_608 = arith.constant 0 : i32
    %dma_wait3A_609 = tpu.memref_slice %arg3[%dma_wait3A_607, %dma_wait3A_608] : memref<10000x8xf32, #tpu.memory_space<hbm>> -> memref<10000x8xf32, #tpu.memory_space<hbm>>
    tpu.wait_indirect_dma semaphore(%arg19 : memref<!tpu.dma_semaphore, #tpu.memory_space<semaphore_mem>>) src(%dma_wait3A_609 : memref<10000x8xf32, #tpu.memory_space<hbm>>) dst(%dma_wait3A_604 : memref<400x8xf32, #tpu.memory_space<vmem>>)
    %dma_wait3A_610 = arith.constant 1600 : i32
    %dma_wait3A_611 = arith.constant 0 : i32
    %dma_wait3A_612 = tpu.memref_slice %arg12[%dma_wait3A_610, %dma_wait3A_611] : memref<2000x8xf32, #tpu.memory_space<vmem>> -> memref<400x8xf32, #tpu.memory_space<vmem>>
    %dma_wait3A_613 = arith.constant 1600 : i32
    %dma_wait3A_614 = tpu.memref_slice %arg10[%dma_wait3A_613] : memref<2000xi32, #tpu.memory_space<vmem>> -> memref<400xi32, #tpu.memory_space<vmem>>
    %dma_wait3A_615 = arith.constant 0 : i32
    %dma_wait3A_616 = arith.constant 0 : i32
    %dma_wait3A_617 = tpu.memref_slice %arg3[%dma_wait3A_615, %dma_wait3A_616] : memref<10000x8xf32, #tpu.memory_space<hbm>> -> memref<10000x8xf32, #tpu.memory_space<hbm>>
    tpu.wait_indirect_dma semaphore(%arg19 : memref<!tpu.dma_semaphore, #tpu.memory_space<semaphore_mem>>) src(%dma_wait3A_617 : memref<10000x8xf32, #tpu.memory_space<hbm>>) dst(%dma_wait3A_612 : memref<400x8xf32, #tpu.memory_space<vmem>>)
    %dma_wait3A_618 = tpu.memref_slice %arg6[%add3A_459] : memref<320000xf32, #tpu.memory_space<hbm>> -> memref<2000xf32, #tpu.memory_space<hbm>>
    %dma_wait3A_619 = tpu.memref_slice %arg6[%add3A_459] : memref<320000xf32, #tpu.memory_space<hbm>> -> memref<2000xf32, #tpu.memory_space<hbm>>
    tpu.wait_dma2 semaphore(%arg20 : memref<!tpu.dma_semaphore, #tpu.memory_space<semaphore_mem>>) src(%arg14 : memref<2000xf32, #tpu.memory_space<vmem>>) dst(%dma_wait3A_619 : memref<2000xf32, #tpu.memory_space<hbm>>)
    %scan3A_620 = arith.constant 0 : i32
    %scan3A_621 = arith.constant 0 : i32
    %scan3A_622 = arith.constant 125 : i32
    %scan3A_623 = arith.addi %scan3A_621, %scan3A_622 : i32
    %scan3A_624 = arith.constant 1 : i32
    scf.for %scan3A_634 = %scan3A_621 to %scan3A_623 step %scan3A_624  : i32 {
      %mul3A_635 = arith.constant 16 : i32
      %mul3A_636 = arith.muli %scan3A_634, %mul3A_635 : i32
      %multiple_of3A_637 = tpu.assume_multiple %mul3A_636, 16 : i32
      %get3A = arith.index_cast %multiple_of3A_637 : i32 to index
      %get3A_638 = tpu.vector_load %arg8[%get3A] {strides = array<i32>} : memref<2000xi32, #tpu.memory_space<vmem>>, vector<16xi32>,
      %mul3A_639 = arith.constant 16 : i32
      %mul3A_640 = arith.muli %scan3A_634, %mul3A_639 : i32
      %add3A_641 = vector.broadcast %mul3A_640 : i32 to vector<16xi32>
      %add3A_642 = arith.addi %add3A_641, %iota3A : vector<16xi32>
      %gather3A_643 = tpu.vector_load_idx %arg7[%get3A_638, %and3A_7] : memref<10000x8xf32, #tpu.memory_space<vmem>>[vector<16xi32>, vector<16xi32>], vector<16xf32>,
      %gather3A_644 = tpu.vector_load_idx %arg12[%add3A_642, %and3A_7] : memref<2000x8xf32, #tpu.memory_space<vmem>>[vector<16xi32>, vector<16xi32>], vector<16xf32>,
      %add3A_645 = arith.addf %gather3A_643, %gather3A_644 : vector<16xf32>
      %max3A = arith.constant 0.000000e+00 : f32
      %max3A_646 = vector.broadcast %max3A : f32 to vector<16xf32>
      %max3A_647 = arith.maximumf %add3A_645, %max3A_646 : vector<16xf32>
      %mul3A_648 = arith.mulf %max3A_647, %gather3A : vector<16xf32>
      %gather3A_649 = tpu.vector_load_idx %arg7[%get3A_638, %and3A_13] : memref<10000x8xf32, #tpu.memory_space<vmem>>[vector<16xi32>, vector<16xi32>], vector<16xf32>,
      %gather3A_650 = tpu.vector_load_idx %arg12[%add3A_642, %and3A_13] : memref<2000x8xf32, #tpu.memory_space<vmem>>[vector<16xi32>, vector<16xi32>], vector<16xf32>,
      %add3A_651 = arith.addf %gather3A_649, %gather3A_650 : vector<16xf32>
      %max3A_652 = arith.constant 0.000000e+00 : f32
      %max3A_653 = vector.broadcast %max3A_652 : f32 to vector<16xf32>
      %max3A_654 = arith.maximumf %add3A_651, %max3A_653 : vector<16xf32>
      %mul3A_655 = arith.mulf %max3A_654, %gather3A_50 : vector<16xf32>
      %gather3A_656 = tpu.vector_load_idx %arg7[%get3A_638, %and3A_19] : memref<10000x8xf32, #tpu.memory_space<vmem>>[vector<16xi32>, vector<16xi32>], vector<16xf32>,
      %gather3A_657 = tpu.vector_load_idx %arg12[%add3A_642, %and3A_19] : memref<2000x8xf32, #tpu.memory_space<vmem>>[vector<16xi32>, vector<16xi32>], vector<16xf32>,
      %add3A_658 = arith.addf %gather3A_656, %gather3A_657 : vector<16xf32>
      %max3A_659 = arith.constant 0.000000e+00 : f32
      %max3A_660 = vector.broadcast %max3A_659 : f32 to vector<16xf32>
      %max3A_661 = arith.maximumf %add3A_658, %max3A_660 : vector<16xf32>
      %mul3A_662 = arith.mulf %max3A_661, %gather3A_51 : vector<16xf32>
      %gather3A_663 = tpu.vector_load_idx %arg7[%get3A_638, %and3A_25] : memref<10000x8xf32, #tpu.memory_space<vmem>>[vector<16xi32>, vector<16xi32>], vector<16xf32>,
      %gather3A_664 = tpu.vector_load_idx %arg12[%add3A_642, %and3A_25] : memref<2000x8xf32, #tpu.memory_space<vmem>>[vector<16xi32>, vector<16xi32>], vector<16xf32>,
      %add3A_665 = arith.addf %gather3A_663, %gather3A_664 : vector<16xf32>
      %max3A_666 = arith.constant 0.000000e+00 : f32
      %max3A_667 = vector.broadcast %max3A_666 : f32 to vector<16xf32>
      %max3A_668 = arith.maximumf %add3A_665, %max3A_667 : vector<16xf32>
      %mul3A_669 = arith.mulf %max3A_668, %gather3A_52 : vector<16xf32>
      %gather3A_670 = tpu.vector_load_idx %arg7[%get3A_638, %and3A_31] : memref<10000x8xf32, #tpu.memory_space<vmem>>[vector<16xi32>, vector<16xi32>], vector<16xf32>,
      %gather3A_671 = tpu.vector_load_idx %arg12[%add3A_642, %and3A_31] : memref<2000x8xf32, #tpu.memory_space<vmem>>[vector<16xi32>, vector<16xi32>], vector<16xf32>,
      %add3A_672 = arith.addf %gather3A_670, %gather3A_671 : vector<16xf32>
      %max3A_673 = arith.constant 0.000000e+00 : f32
      %max3A_674 = vector.broadcast %max3A_673 : f32 to vector<16xf32>
      %max3A_675 = arith.maximumf %add3A_672, %max3A_674 : vector<16xf32>
      %mul3A_676 = arith.mulf %max3A_675, %gather3A_53 : vector<16xf32>
      %gather3A_677 = tpu.vector_load_idx %arg7[%get3A_638, %and3A_37] : memref<10000x8xf32, #tpu.memory_space<vmem>>[vector<16xi32>, vector<16xi32>], vector<16xf32>,
      %gather3A_678 = tpu.vector_load_idx %arg12[%add3A_642, %and3A_37] : memref<2000x8xf32, #tpu.memory_space<vmem>>[vector<16xi32>, vector<16xi32>], vector<16xf32>,
      %add3A_679 = arith.addf %gather3A_677, %gather3A_678 : vector<16xf32>
      %max3A_680 = arith.constant 0.000000e+00 : f32
      %max3A_681 = vector.broadcast %max3A_680 : f32 to vector<16xf32>
      %max3A_682 = arith.maximumf %add3A_679, %max3A_681 : vector<16xf32>
      %mul3A_683 = arith.mulf %max3A_682, %gather3A_54 : vector<16xf32>
      %gather3A_684 = tpu.vector_load_idx %arg7[%get3A_638, %and3A_43] : memref<10000x8xf32, #tpu.memory_space<vmem>>[vector<16xi32>, vector<16xi32>], vector<16xf32>,
      %gather3A_685 = tpu.vector_load_idx %arg12[%add3A_642, %and3A_43] : memref<2000x8xf32, #tpu.memory_space<vmem>>[vector<16xi32>, vector<16xi32>], vector<16xf32>,
      %add3A_686 = arith.addf %gather3A_684, %gather3A_685 : vector<16xf32>
      %max3A_687 = arith.constant 0.000000e+00 : f32
      %max3A_688 = vector.broadcast %max3A_687 : f32 to vector<16xf32>
      %max3A_689 = arith.maximumf %add3A_686, %max3A_688 : vector<16xf32>
      %mul3A_690 = arith.mulf %max3A_689, %gather3A_55 : vector<16xf32>
      %gather3A_691 = tpu.vector_load_idx %arg7[%get3A_638, %and3A_49] : memref<10000x8xf32, #tpu.memory_space<vmem>>[vector<16xi32>, vector<16xi32>], vector<16xf32>,
      %gather3A_692 = tpu.vector_load_idx %arg12[%add3A_642, %and3A_49] : memref<2000x8xf32, #tpu.memory_space<vmem>>[vector<16xi32>, vector<16xi32>], vector<16xf32>,
      %add3A_693 = arith.addf %gather3A_691, %gather3A_692 : vector<16xf32>
      %max3A_694 = arith.constant 0.000000e+00 : f32
      %max3A_695 = vector.broadcast %max3A_694 : f32 to vector<16xf32>
      %max3A_696 = arith.maximumf %add3A_693, %max3A_695 : vector<16xf32>
      %mul3A_697 = arith.mulf %max3A_696, %gather3A_56 : vector<16xf32>
      %add3A_698 = arith.addf %mul3A_648, %mul3A_655 : vector<16xf32>
      %add3A_699 = arith.addf %mul3A_662, %mul3A_669 : vector<16xf32>
      %add3A_700 = arith.addf %mul3A_676, %mul3A_683 : vector<16xf32>
      %add3A_701 = arith.addf %mul3A_690, %mul3A_697 : vector<16xf32>
      %add3A_702 = arith.addf %add3A_698, %add3A_699 : vector<16xf32>
      %add3A_703 = arith.addf %add3A_700, %add3A_701 : vector<16xf32>
      %add3A_704 = arith.addf %add3A_702, %add3A_703 : vector<16xf32>
      %mul3A_705 = arith.constant 16 : i32
      %mul3A_706 = arith.muli %scan3A_634, %mul3A_705 : i32
      %multiple_of3A_707 = tpu.assume_multiple %mul3A_706, 16 : i32
      %swap3A = arith.index_cast %multiple_of3A_707 : i32 to index
      %swap3A_708 = tpu.vector_load %arg14[%swap3A] {strides = array<i32>} : memref<2000xf32, #tpu.memory_space<vmem>>, vector<16xf32>,
      tpu.vector_store %arg14[%swap3A], %add3A_704 {strides = array<i32>} : memref<2000xf32, #tpu.memory_space<vmem>>, vector<16xf32>,
    }
    %scan3A_625 = arith.constant 125 : i32
    %add3A_626 = arith.constant 8000 : i32
    %add3A_627 = arith.addi %multiple_of3A, %add3A_626 : i32
    %dma_start3A_628 = tpu.memref_slice %arg6[%add3A_627] : memref<320000xf32, #tpu.memory_space<hbm>> -> memref<2000xf32, #tpu.memory_space<hbm>>
    %dma_start3A_629 = tpu.memref_slice %arg6[%add3A_627] : memref<320000xf32, #tpu.memory_space<hbm>> -> memref<2000xf32, #tpu.memory_space<hbm>>
    tpu.enqueue_dma source(%arg14 : memref<2000xf32, #tpu.memory_space<vmem>>) target(%dma_start3A_629 : memref<2000xf32, #tpu.memory_space<hbm>>) target_semaphore(%arg20 : memref<!tpu.dma_semaphore, #tpu.memory_space<semaphore_mem>>)
    %dma_wait3A_630 = tpu.memref_slice %arg6[%add3A_575] : memref<320000xf32, #tpu.memory_space<hbm>> -> memref<2000xf32, #tpu.memory_space<hbm>>
    %dma_wait3A_631 = tpu.memref_slice %arg6[%add3A_575] : memref<320000xf32, #tpu.memory_space<hbm>> -> memref<2000xf32, #tpu.memory_space<hbm>>
    tpu.wait_dma2 semaphore(%arg20 : memref<!tpu.dma_semaphore, #tpu.memory_space<semaphore_mem>>) src(%arg15 : memref<2000xf32, #tpu.memory_space<vmem>>) dst(%dma_wait3A_631 : memref<2000xf32, #tpu.memory_space<hbm>>)
    %dma_wait3A_632 = tpu.memref_slice %arg6[%add3A_627] : memref<320000xf32, #tpu.memory_space<hbm>> -> memref<2000xf32, #tpu.memory_space<hbm>>
    %dma_wait3A_633 = tpu.memref_slice %arg6[%add3A_627] : memref<320000xf32, #tpu.memory_space<hbm>> -> memref<2000xf32, #tpu.memory_space<hbm>>
    tpu.wait_dma2 semaphore(%arg20 : memref<!tpu.dma_semaphore, #tpu.memory_space<semaphore_mem>>) src(%arg14 : memref<2000xf32, #tpu.memory_space<vmem>>) dst(%dma_wait3A_633 : memref<2000xf32, #tpu.memory_space<hbm>>)
    return
  }
}

module attributes {stable_mosaic.version = 14 : i64} {
  func.func @_tables_body(%arg0: memref<10000x128xf32, #tpu.memory_space<vmem>>, %arg1: memref<16x128xf32, #tpu.memory_space<vmem>>, %arg2: memref<16xf32, #tpu.memory_space<vmem>>, %arg3: memref<8x32xf32, #tpu.memory_space<vmem>>, %arg4: memref<8xf32, #tpu.memory_space<vmem>>, %arg5: memref<1x8xf32, #tpu.memory_space<vmem>>, %arg6: memref<10000x8xf32, #tpu.memory_space<vmem>>, %arg7: memref<10000x8xf32, #tpu.memory_space<vmem>>, %arg8: memref<8x16xf32, #tpu.memory_space<vmem>>) attributes {dimension_semantics = [], scalar_prefetch = 0 : i64, scratch_operands = 0 : i64, tpu.core_type = #tpu.core_type<tc>} {
    %get3A = arith.constant 0 : index
    %get3A_0 = arith.constant 0 : index
    %get3A_1 = vector.load %arg0[%get3A, %get3A_0] : memref<10000x128xf32, #tpu.memory_space<vmem>>, vector<10000x128xf32>
    %get3A_2 = arith.constant 0 : index
    %get3A_3 = arith.constant 0 : index
    %get3A_4 = vector.load %arg1[%get3A_2, %get3A_3] : memref<16x128xf32, #tpu.memory_space<vmem>>, vector<16x128xf32>
    %dot_general3A = arith.constant dense<0.000000e+00> : vector<10000x16xf32>
    %dot_general3A_5 = tpu.matmul %get3A_1, %get3A_4, %dot_general3A {dimension_numbers = #tpu.dot_dimension_numbers<[1], [1], [0], [0], [0, 0, 1, 0], [], []>, transpose_lhs_hint = false} : vector<10000x128xf32>, vector<16x128xf32>, vector<10000x16xf32> -> vector<10000x16xf32>
    %get3A_6 = arith.constant 0 : index
    %get3A_7 = vector.load %arg2[%get3A_6] : memref<16xf32, #tpu.memory_space<vmem>>, vector<16xf32>
    %broadcast_in_dim3A = vector.shape_cast %get3A_7 : vector<16xf32> to vector<1x16xf32>
    %add3A = vector.broadcast %broadcast_in_dim3A : vector<1x16xf32> to vector<10000x16xf32>
    %add3A_8 = arith.addf %dot_general3A_5, %add3A : vector<10000x16xf32>
    %get3A_9 = arith.constant 0 : index
    %get3A_10 = arith.constant 0 : index
    %get3A_11 = vector.load %arg3[%get3A_9, %get3A_10] : memref<8x32xf32, #tpu.memory_space<vmem>>, vector<8x32xf32>
    %slice3A = vector.extract_strided_slice %get3A_11 {offsets = [0, 0], sizes = [8, 16], strides = [1, 1]} : vector<8x32xf32> to vector<8x16xf32>
    %dot_general3A_12 = arith.constant dense<0.000000e+00> : vector<10000x8xf32>
    %dot_general3A_13 = tpu.matmul %add3A_8, %slice3A, %dot_general3A_12 {dimension_numbers = #tpu.dot_dimension_numbers<[1], [1], [0], [0], [0, 0, 1, 0], [], []>, transpose_lhs_hint = false} : vector<10000x16xf32>, vector<8x16xf32>, vector<10000x8xf32> -> vector<10000x8xf32>
    %get3A_14 = arith.constant 0 : index
    %get3A_15 = vector.load %arg4[%get3A_14] : memref<8xf32, #tpu.memory_space<vmem>>, vector<8xf32>
    %broadcast_in_dim3A_16 = vector.shape_cast %get3A_15 : vector<8xf32> to vector<1x8xf32>
    %add3A_17 = vector.broadcast %broadcast_in_dim3A_16 : vector<1x8xf32> to vector<10000x8xf32>
    %add3A_18 = arith.addf %dot_general3A_13, %add3A_17 : vector<10000x8xf32>
    %swap3A = arith.constant 0 : index
    %swap3A_19 = arith.constant 0 : index
    %swap3A_20 = vector.load %arg6[%swap3A, %swap3A_19] : memref<10000x8xf32, #tpu.memory_space<vmem>>, vector<10000x8xf32>
    tpu.vector_store %arg6[%swap3A, %swap3A_19], %add3A_18 {strides = array<i32>} : memref<10000x8xf32, #tpu.memory_space<vmem>>, vector<10000x8xf32>,
    %slice3A_21 = vector.extract_strided_slice %get3A_11 {offsets = [0, 16], sizes = [8, 16], strides = [1, 1]} : vector<8x32xf32> to vector<8x16xf32>
    %dot_general3A_22 = arith.constant dense<0.000000e+00> : vector<10000x8xf32>
    %dot_general3A_23 = tpu.matmul %add3A_8, %slice3A_21, %dot_general3A_22 {dimension_numbers = #tpu.dot_dimension_numbers<[1], [1], [0], [0], [0, 0, 1, 0], [], []>, transpose_lhs_hint = false} : vector<10000x16xf32>, vector<8x16xf32>, vector<10000x8xf32> -> vector<10000x8xf32>
    %swap3A_24 = arith.constant 0 : index
    %swap3A_25 = arith.constant 0 : index
    %swap3A_26 = vector.load %arg7[%swap3A_24, %swap3A_25] : memref<10000x8xf32, #tpu.memory_space<vmem>>, vector<10000x8xf32>
    tpu.vector_store %arg7[%swap3A_24, %swap3A_25], %dot_general3A_23 {strides = array<i32>} : memref<10000x8xf32, #tpu.memory_space<vmem>>, vector<10000x8xf32>,
    %get3A_27 = arith.constant 0 : index
    %get3A_28 = arith.constant 0 : index
    %get3A_29 = vector.load %arg5[%get3A_27, %get3A_28] : memref<1x8xf32, #tpu.memory_space<vmem>>, vector<1x8xf32>
    %broadcast_in_dim3A_30 = arith.constant 1.000000e+00 : f32
    %broadcast_in_dim3A_31 = vector.broadcast %broadcast_in_dim3A_30 : f32 to vector<1x16xf32>
    %dot_general3A_32 = arith.constant dense<0.000000e+00> : vector<8x16xf32>
    %dot_general3A_33 = tpu.matmul %get3A_29, %broadcast_in_dim3A_31, %dot_general3A_32 {dimension_numbers = #tpu.dot_dimension_numbers<[0], [0], [1], [1], [0, 1, 1, 1], [], []>, transpose_lhs_hint = false} : vector<1x8xf32>, vector<1x16xf32>, vector<8x16xf32> -> vector<8x16xf32>
    %swap3A_34 = arith.constant 0 : index
    %swap3A_35 = arith.constant 0 : index
    %swap3A_36 = vector.load %arg8[%swap3A_34, %swap3A_35] : memref<8x16xf32, #tpu.memory_space<vmem>>, vector<8x16xf32>
    tpu.vector_store %arg8[%swap3A_34, %swap3A_35], %dot_general3A_33 {strides = array<i32>} : memref<8x16xf32, #tpu.memory_space<vmem>>, vector<8x16xf32>,
    return
  }
}

module attributes {stable_mosaic.version = 14 : i64} {
  func.func @_norm_body(%arg0: memref<320000xf32, #tpu.memory_space<vmem>>, %arg1: memref<320000xf32, #tpu.memory_space<vmem>>) attributes {dimension_semantics = [], scalar_prefetch = 0 : i64, scratch_operands = 0 : i64, tpu.core_type = #tpu.core_type<tc>} {
    %get3A = arith.constant 0 : index
    %get3A_0 = vector.load %arg0[%get3A] : memref<320000xf32, #tpu.memory_space<vmem>>, vector<320000xf32>
    %reduce_min3A = vector.shape_cast %get3A_0 : vector<320000xf32> to vector<1x320000xf32>
    %reduce_min3A_1 = arith.constant dense<0x7F800000> : vector<1xf32>
    %reduce_min3A_2 = vector.multi_reduction <minimumf>, %reduce_min3A, %reduce_min3A_1 [1] : vector<1x320000xf32> to vector<1xf32>
    %reduce_min3A_3 = vector.shape_cast %reduce_min3A_2 : vector<1xf32> to vector<1x1xf32>
    %reduce_min3A_4 = vector.extract %reduce_min3A_3[0, 0] : f32 from vector<1x1xf32>
    %reduce_max3A = vector.shape_cast %get3A_0 : vector<320000xf32> to vector<1x320000xf32>
    %reduce_max3A_5 = arith.constant dense<0xFF800000> : vector<1xf32>
    %reduce_max3A_6 = vector.multi_reduction <maximumf>, %reduce_max3A, %reduce_max3A_5 [1] : vector<1x320000xf32> to vector<1xf32>
    %reduce_max3A_7 = vector.shape_cast %reduce_max3A_6 : vector<1xf32> to vector<1x1xf32>
    %reduce_max3A_8 = vector.extract %reduce_max3A_7[0, 0] : f32 from vector<1x1xf32>
    %sub3A = vector.broadcast %reduce_min3A_4 : f32 to vector<320000xf32>
    %sub3A_9 = arith.subf %get3A_0, %sub3A : vector<320000xf32>
    %sub3A_10 = arith.subf %reduce_max3A_8, %reduce_min3A_4 : f32
    %div3A = vector.broadcast %sub3A_10 : f32 to vector<320000xf32>
    %div3A_11 = arith.divf %sub3A_9, %div3A : vector<320000xf32>
    %swap3A = arith.constant 0 : index
    %swap3A_12 = vector.load %arg1[%swap3A] : memref<320000xf32, #tpu.memory_space<vmem>>, vector<320000xf32>
    tpu.vector_store %arg1[%swap3A], %div3A_11 {strides = array<i32>} : memref<320000xf32, #tpu.memory_space<vmem>>, vector<320000xf32>,
    return
  }
}

</mosaic_0001>

<sc_bundles>
// kernel: kernel.5.cloned.1.call-start
scs
__scs_entry_jumppad:
0x0: {  	(pc) =	sbr.rel $0x88, $3  }
0x1: {  	(tag) =	ssettag $0x0;
	lr =	simm.s32 $0x1  }
0x2: {  	[smem:$0x3F9A] =	sst lr;
	_ =	strace $0xD0000000  }
0x3: {  	_ = 	snop  }
0x4: {  	_ = 	snop  }
0x5: {  	_ = 	snop  }
0x6: {  	_ = 	snop  }
0x7: {  	_ = 	snop  }
__scs_overlays_trampoline_lowered:
0x8: {  	[smem:$0x3FA9] =	sst s0  }
0x9: {  	[smem:$0x3FAA] =	sst s1  }
0xa: {  	[smem:$0x3FAB] =	sst s2  }
0xb: {  	[smem:$0x3FAC] =	sst s3  }
0xc: {  	[smem:$0x3FAD] =	sst s4  }
0xd: {  	[smem:$0x3FAE] =	sst s5  }
0xe: {  	[smem:$0x3FAF] =	sst s6  }
0xf: {  	[smem:$0x3FB0] =	sst s7  }
0x10: {  	[smem:$0x3FB1] =	sst s8  }
0x11: {  	[smem:$0x3FB2] =	sst s9;
	s0 =	simm.s32 @!p0 $0x0  }
0x12: {  	s1 =	sld [smem:$0x3F98];
	s0 =	simm.s32 @p0 $0x1  }
0x13: {  	[smem:$0x3FB3] =	sst s0;
	s0 =	simm.s32 @!p1 $0x0  }
0x14: {  	s2 =	sld [smem:$0x3F97];
	s0 =	simm.s32 @p1 $0x1  }
0x15: {  	[smem:$0x3FB4] =	sst s0;
	s0 =	simm.s32 @!p2 $0x0  }
0x16: {  	s3 =	sld [smem:$0x3FDB];
	s0 =	simm.s32 @p2 $0x1  }
0x17: {  	s4 =	simm.s32 $0x1BF5;
	[smem:$0x3FB6] =	sst s0  }
0x18: {  	s0 =	sld [smem:$0x3F99];
	_ =	swait.ge [sflag:s4], $0x0  }
0x19: {  	s7 =	sld [smem:$0x3F9A]  }
0x1a: {  	s8 =	sadd.s32 $0xFFFFE003, lr  }
0x1b: {  	s9 =	sadd.s32 $0xFFFFFEF7, lr;
	s5 =	simm.s32 $0xFFFFFFFF;
	p2 =	slt.u32 s8, $0xFFFFF086  }
0x1c: {  	p1 =	slt.u32 s9, $0xF7A;
	s5 =	simm.s32 @!p2 $0x0  }
0x1d: {  	s5 =	simm.s32 @p1 $0x1;
	p0 =	seq.s32 s7, s2  }
0x1e: {  	s7 =	smul.u32 @!p0 $0xF7A, s2;
	p2 =	seq.s32 @!p0 s5, $0x0  }
0x1f: {  	s9 =	smul.u32 $0xF7A, s1;
	s8 =	simm.s32 @!p0 $0x1BF5;
	p2 =	por !p2, p0  }
0x20: {  	[sflag:s8] =	ssyncset.s32 @!p0 $0xFFFFF086;
	s6 =	sadd.s32 @!p0 s3, s7;
	s7 =	simm.s32 @!p0 $0x108  }
0x21: {  	s3 =	sadd.s32 s3, s9;
	s6 =	sadd.s32 @!p0 $0x88, s6;
	s7 =	simm.s32 @p2 $0x1082  }
0x22: {  	[simem:s7], [sflag:s8] =	dma.local @!p0 [hbm:s6], $0xF7A  }
0x23: {  	s9 =	sor.u32 $0xD0000000, s2;
	s6 =	simm.s32 $0x108;
	_ =	swait.ge @!p0 [sflag:s8], $0x0  }
0x24: {  	s3 =	sadd.s32 $0x88, s3;
	s6 =	simm.s32 @!p1 $0x1082;
	[sflag:s4] =	ssyncset.s32 $0xFFFFF086  }
0x25: {  	[simem:s6], [sflag:s4] =	dma.local [hbm:s3], $0xF7A  }
0x26: {  	[smem:$0x3F9A] =	sst s1;
	(tag) =	ssettag s2;
	_ =	strace s9  }
0x27: {  	s1 =	sld [smem:$0x3FAA]  }
0x28: {  	s2 =	sld [smem:$0x3FAB]  }
0x29: {  	s4 =	sld [smem:$0x3FAD]  }
0x2a: {  	p0 =	seq.s32 s5, $0x0;
	s5 =	sld [smem:$0x3FAE]  }
0x2b: {  	s6 =	sld [smem:$0x3FAF]  }
0x2c: {  	s7 =	sld [smem:$0x3FB0]  }
0x2d: {  	s3 =	simm.s32 $0x108;
	s8 =	sld [smem:$0x3FB1]  }
0x2e: {  	s3 =	simm.s32 @!p0 $0x1082;
	s9 =	sld [smem:$0x3FB2]  }
0x2f: {  	lr =	sadd.s32 s0, s3;
	s0 =	sld [smem:$0x3FA9]  }
0x30: {  	s3 =	sld [smem:$0x3FAC]  }
0x31: {  	[smem:$0x3FB5] =	sst s10  }
0x32: {  	s10 =	sld [smem:$0x3FB3];
	_ =	sdelay $0x3  }
0x33: {  	p0 =	seq.s32 s10, $0x1;
	s10 =	sld [smem:$0x3FB5];
	_ =	sdelay $0x3  }
0x34: {  	[smem:$0x3FB5] =	sst s10  }
0x35: {  	s10 =	sld [smem:$0x3FB4];
	_ =	sdelay $0x3  }
0x36: {  	p1 =	seq.s32 s10, $0x1;
	s10 =	sld [smem:$0x3FB5];
	_ =	sdelay $0x3  }
0x37: {  	[smem:$0x3FB5] =	sst s10  }
0x38: {  	s10 =	sld [smem:$0x3FB6]  }
0x39: {  	_ = 	snop;
	(pc) =	sbr.ind lr, $3  }
0x3a: {  	_ = 	snop  }
0x3b: {  	_ = 	snop  }
0x3c: {  	p2 =	seq.s32 s10, $0x1;
	s10 =	sld [smem:$0x3FB5]  }
0x3d: {  	_ =	shalt  }
0x3e: {  	_ =	shalt  }
0x3f: {  	_ =	shalt  }
0x40: {  	_ =	shalt  }
0x41: {  	_ =	shalt  }
0x42: {  	_ =	shalt  }
0x43: {  	_ =	shalt  }
0x44: {  	_ =	shalt  }
0x45: {  	_ =	shalt  }
0x46: {  	_ =	shalt  }
0x47: {  	_ =	shalt  }
0x48: {  	_ =	shalt  }
0x49: {  	_ =	shalt  }
0x4a: {  	_ =	shalt  }
0x4b: {  	_ =	shalt  }
0x4c: {  	_ =	shalt  }
0x4d: {  	_ =	shalt  }
0x4e: {  	_ =	shalt  }
0x4f: {  	_ =	shalt  }
0x50: {  	_ =	shalt  }
0x51: {  	_ =	shalt  }
0x52: {  	_ =	shalt  }
0x53: {  	_ =	shalt  }
0x54: {  	_ =	shalt  }
0x55: {  	_ =	shalt  }
0x56: {  	_ =	shalt  }
0x57: {  	_ =	shalt  }
0x58: {  	_ =	shalt  }
0x59: {  	_ =	shalt  }
0x5a: {  	_ =	shalt  }
0x5b: {  	_ =	shalt  }
0x5c: {  	_ =	shalt  }
0x5d: {  	_ =	shalt  }
0x5e: {  	_ =	shalt  }
0x5f: {  	_ =	shalt  }
0x60: {  	_ =	shalt  }
0x61: {  	_ =	shalt  }
0x62: {  	_ =	shalt  }
0x63: {  	_ =	shalt  }
0x64: {  	_ =	shalt  }
0x65: {  	_ =	shalt  }
0x66: {  	_ =	shalt  }
0x67: {  	_ =	shalt  }
0x68: {  	_ =	shalt  }
0x69: {  	_ =	shalt  }
0x6a: {  	_ =	shalt  }
0x6b: {  	_ =	shalt  }
0x6c: {  	_ =	shalt  }
0x6d: {  	_ =	shalt  }
0x6e: {  	_ =	shalt  }
0x6f: {  	_ =	shalt  }
0x70: {  	_ =	shalt  }
0x71: {  	_ =	shalt  }
0x72: {  	_ =	shalt  }
0x73: {  	_ =	shalt  }
0x74: {  	_ =	shalt  }
0x75: {  	_ =	shalt  }
0x76: {  	_ =	shalt  }
0x77: {  	_ =	shalt  }
0x78: {  	_ =	shalt  }
0x79: {  	_ =	shalt  }
0x7a: {  	_ =	shalt  }
0x7b: {  	_ =	shalt  }
0x7c: {  	_ =	shalt  }
0x7d: {  	_ =	shalt  }
0x7e: {  	_ =	shalt  }
0x7f: {  	_ =	shalt  }
0x80: {  	_ =	shalt  }
0x81: {  	_ =	shalt  }
0x82: {  	_ =	shalt  }
0x83: {  	_ =	shalt  }
0x84: {  	_ =	shalt  }
0x85: {  	_ =	shalt  }
0x86: {  	_ =	shalt  }
0x87: {  	_ =	shalt  }
.Lfunc_end0:
.L_simem_size_0:
called_computation_lowered:
.L_overlay_start_0:
0x88: {  	s2 =	sld [smem:$0x3FD9]  }
0x89: {  	s3 =	sld [smem:$0x3FFE];
	_ =	sdelay $0x1  }
0x8a: {  	s1 =	srdreg.scid  }
0x8b: {  	s0 =	sand.u32 $0x1, s1  }
0x8c: {  	s17 =	sshll.u32 s0, $0xA;
	s2 =	sadd.s32 s3, s2  }
0x8d: {  	s2 =	sadd.s32 s2, s17  }
0x8e: {  	[smem:$0x3FC1] =	sst s2  }
0x8f: {  	_ = 	snop  }
0x90: {  	s2 =	sld [smem:$0x3FD0];
	(tm) =	ssettm $0x1  }
0x91: {  	s18 =	sld [smem:$0x3FFB];
	_ =	sdelay $0x3  }
0x92: {  	_ =	strace s18  }
0x93: {  	s3 =	sld [smem:$0x3FFC];
	_ =	sdelay $0x3  }
0x94: {  	_ =	strace s3  }
0x95: {  	s3 =	sld [smem:$0x3FFD];
	_ =	sdelay $0x3  }
0x96: {  	_ =	strace s3  }
0x97: {  	_ =	strace $0x8FFFFFFF  }
0x98: {  	s19 =	sld [smem:$0x3FDB];
	_ =	sdelay $0x1  }
0x99: {  	s4 =	simm.s32 $_scs_section_size  }
0x9a: {  	s5 =	simm.s32 $_size__tile_overlayer_lowered;
	s6 =	simm.s32 $_tile_overlayer_lowered  }
0x9b: {  	s22 =	simm.s32 $0x1BFF;
	s21 =	sshll.u32 s6, $0x1;
	s3 =	sadd.s32 s4, s19  }
0x9c: {  	s7 =	simm.s32 $0x0;
	s20 =	sshll.u32 s5, $0x1;
	s5 =	sadd.s32 s21, s3  }
0x9d: {  	[timem:s7], [sflag:s22] =	dma.local [hbm:s5], s20  }
0x9e: {  	_ =	swait.ge [sflag:s22], s20  }
0x9f: {  	s4 =	ssub.s32 $0x0, s20;
	[sflag:s22] =	ssyncset.done $0x0  }
0xa0: {  	[sflag:s22] =	ssyncadd.s32 s4;
	_ =	sdelay $0x1  }
0xa1: {  	s23 =	simm.s32 $0x1B8B  }
0xa2: {  	_ =	swait.ge [sflag:s23], $0x1  }
0xa3: {  	[sflag:s23] =	ssyncset.done $0x0  }
0xa4: {  	s25 =	simm.s32 $0x1B8E;
	s24 =	sld [smem:$0x3FFE];
	[sflag:s23] =	ssyncadd.s32 $0xFFFFFFFF  }
0xa5: {  	s26 =	simm.s32 $execute0_lowered;
	[smem:$0x3FD2] =	sst s25  }
0xa6: {  	s5 =	sshll.u32 s26, $0x1;
	_ =	strace $0x80000046;
	[dreg:$0x1] =	wrdreg $0xFFFFFFFF  }
0xa7: {  	s28 =	simm.s32 $_size_execute0_lowered;
	s3 =	sadd.s32 s3, s5;
	[dreg:$0x0] =	wrdreg $0x0  }
0xa8: {  	s5 =	sshll.u32 s28, $0x1;
	[dreg:$0x2] =	wrdreg s3  }
0xa9: {  	[dreg:$0x3] =	wrdreg s5  }
0xaa: {  	[dreg:$0x4] =	wrdreg $0xC0  }
0xab: {  	_ =	task [dreg:s7], $0x5FFFF  }
0xac: {  	[dreg:$0x1] =	wrdreg $0xFFFFFFFF  }
0xad: {  	[dreg:$0x0] =	wrdreg $0x60  }
0xae: {  	[dreg:$0x2] =	wrdreg s2  }
0xaf: {  	[dreg:$0x3] =	wrdreg s24  }
0xb0: {  	[dreg:$0x4] =	wrdreg $0x9  }
0xb1: {  	_ =	task.clear_ibuf [dreg:s7], $0x5FFFF;
	_ =	strace $0x90000046  }
0xb2: {  	s29 =	simm.s32 $0x9;
	_ =	strace $0x80000048  }
0xb3: {  	_ =	swait.ge [sflag:s29], $0x1  }
0xb4: {  	[sflag:s29] =	ssyncadd.s32 $0xFFFFFFFF  }
0xb5: {  	_ =	strace $0x90000048  }
0xb6: {  	_ =	sfence  }
0xb7: {  	s30 =	sld [smem:$0x0];
	_ =	sdelay $0x2  }
0xb8: {  	s31 =	sshll.u32 s1, $0xD;
	s1 =	sshrl.u32 s1, $0x2  }
0xb9: {  	s3 =	sand.u32 $0x4000, s31;
	s1 =	sadd.s32 s1, s30  }
0xba: {  	s0 =	sor.u32 s3, s0;
	s1 =	sshll.u32 s1, $0x11  }
0xbb: {  	s0 =	sor.u32 s1, s0  }
0xbc: {  	s0 =	sadd.s32 $0x8F2B, s0  }
0xbd: {  	[sflag:s0] =	ssyncadd.remote.s32 $0x1  }
0xbe: {  	_ =	sfence.sel $0xFFFF  }
0xbf: {  	[dreg:$0x0] =	wrdreg $0xFFFFFFFF;
	(pc) =	sbr.abs _section_cstart, $3  }
0xc0: {  	[dreg:$0x1] =	wrdreg $0xFFFFFFFF  }
0xc1: {  	_ =	task.clear_ibuf [dreg:s7], $0x2FFFF;
	_ =	strace $0x9FFFFFFF  }
0xc2: {  	(tm) =	ssettm $0x7FFFFFFF  }
0xc3: {  	_ =	shalt  }
tec
execute0_lowered:
.L_overlay_start_1:
0x0: {  	(tag) =	ssettag $0x1  }
0x1: {  	v0 =	vimm.s32 $0x3B2A1908;
	v1 =	vimm.s32 $0x7F6E5D4C  }
0x2: {  	vm0 =	vcmask $0x1F10;
	v2 =	vimm.s32 $0x33221100;
	v3 =	vimm.s32 $0x77665544  }
0x3: {  	v4 =	vimm.s32 $0x4B3A2918;
	v5 =	vimm.s32 $0xF7E6D5C;
	v6 =	vimm.s32 $0x43322110  }
0x4: {  	v7 =	vimm.s32 $0x7766554;
	v8 =	vimm.s32 $0x6B5A4938;
	v9 =	vimm.s32 $0x2F1E0D7C  }
0x5: {  	v10 =	vimm.s32 $0x37261504;
	v11 =	vimm.s32 $0x13027160;
	v12 =	vimm.s32 $0x57463524  }
0x6: {  	v13 =	vimm.s32 $0x21076543;
	v14 =	vimm.s32 $0x32107654;
	v15 =	vimm.s32 $0x43210765  }
0x7: {  	v16 =	vimm.s32 $0x65432107;
	v0 =	vunpack.c.0.s8.s32 v0;
	v1 =	vunpack.c.0.s8.s32 v1  }
0x8: {  	v2 =	vunpack.c.0.s8.s32 v2;
	v3 =	vunpack.c.0.s8.s32 v3;
	v4 =	vunpack.c.0.s8.s32 v4  }
0x9: {  	v5 =	vunpack.c.0.s8.s32 v5;
	v6 =	vunpack.c.0.s8.s32 v6;
	v7 =	vunpack.c.0.s8.s32 v7  }
0xa: {  	v8 =	vunpack.c.0.s8.s32 v8;
	v9 =	vunpack.c.0.s8.s32 v9;
	v11 =	vunpack.c.0.s8.s32 v11  }
0xb: {  	v0 =	vsel vm0, v1, v0;
	v1 =	vsel vm0, v3, v2;
	v2 =	vsel vm0, v5, v4  }
0xc: {  	s0 =	srdreg.scid;
	v3 =	vsel vm0, v7, v6;
	v4 =	vimm.s32 $0x5B4A3928;
	v5 =	vimm.s32 $0x1F0E7D6C  }
0xd: {  	s1 =	stileid.u32;
	s2 =	rddreg [dreg:$0x1];
	v6 =	vimm.s32 $0x53423120;
	v7 =	vimm.s32 $0x17067564;
	v4 =	vunpack.c.0.s8.s32 v4  }
0xe: {  	s3 =	simm.s32 $0x0;
	s28 =	simm.s32 $0x157C0;
	s29 =	simm.s32 $0x149B0;
	v5 =	vunpack.c.0.s8.s32 v5;
	v6 =	vunpack.c.0.s8.s32 v6;
	v7 =	vunpack.c.0.s8.s32 v7  }
0xf: {  	s30 =	simm.s32 $0x16440;
	s0 =	sand.u32 $0x1, s0;
	s1 =	sshll.u32 s1, $0x1;
	v12 =	vunpack.c.0.s8.s32 v12;
	v0 =	vcombine.low v1, v0;
	v1 =	vcombine.low v3, v2  }
0x10: {  	[smem:$0x7FF] =	sst s3;
	s5 =	sadd.s32 $0x4000, s2;
	s4 =	sadd.s32 $0x1600, s2;
	v2 =	vsel vm0, v5, v4;
	v3 =	vsel vm0, v7, v6;
	v4 =	vsel vm0, v9, v8  }
0x11: {  	s1 =	sor.u32 s0, s1;
	s0 =	ssub.s32 $0x2, s0;
	v5 =	vimm.s32 $0x63524130;
	v6 =	vimm.s32 $0x27160574;
	v7 =	vimm.s32 $0x7B6A5948  }
0x12: {  	s6 =	sadd.s32 $0x3E00, s2;
	s1 =	smul.u32 $0x2710, s1;
	s15 =	sshrl.u32 s0, $0x1;
	v8 =	vimm.s32 $0x3F2E1D0C;
	v5 =	vunpack.c.0.s8.s32 v5;
	v6 =	vunpack.c.0.s8.s32 v6  }
0x13: {  	s2 =	sadd.s32 $0x17A00, s2;
	_ =	strace $0x80000047;
	s0 =	ssub.s32 s0, s15;
	v9 =	vimm.s32 $0x73625140;
	v7 =	vunpack.c.0.s8.s32 v7;
	v8 =	vunpack.c.0.s8.s32 v8  }
0x14: {  	[dreg:$0x3] =	wrdreg s6;
	s1 =	sshrl.u32 s1, $0x3;
	s0 =	smax.u32 s0, $0x1;
	v5 =	vsel vm0, v6, v5;
	v6 =	vunpack.c.0.s8.s32 v9;
	v9 =	vunpack.c.0.s8.s32 v10  }
0x15: {  	s6 =	sadd.s32 s5, s1;
	s18 =	sadd.s32 s2, s1;
	[dreg:$0x12] =	wrdreg s0;
	v2 =	vcombine.low v3, v2;
	v10 =	vimm.s32 $0x5F4E3D2C;
	v3 =	vcombine.low v5, v4  }
0x16: {  	s31 =	simm.s32 $0x14B40;
	s7 =	sadd.s32 $0x9C40, s6;
	[dreg:$0x7] =	wrdreg s18;
	v4 =	vsel vm0, v8, v7;
	v7 =	vimm.s32 $0x4F3E2D1C;
	v5 =	vsel vm0, v9, v6  }
0x17: {  	s8 =	sadd.s32 $0xFA, s1;
	s9 =	sadd.s32 $0x9D3A, s6;
	[dreg:$0x4] =	wrdreg s7;
	v8 =	vimm.s32 $0x47362514;
	v6 =	vimm.s32 $0xB7A6958;
	v4 =	vcombine.low v5, v4  }
0x18: {  	s16 =	sadd.s32 $0x1F4, s1;
	s17 =	sadd.s32 s5, s8;
	[dreg:$0x5] =	wrdreg s9;
	v5 =	vunpack.c.0.s8.s32 v6;
	v6 =	vunpack.c.0.s8.s32 v7;
	v7 =	vimm.s32 $0x3726150  }
0x19: {  	s10 =	simm.s32 $0x1;
	s19 =	sadd.s32 s5, s16;
	[dreg:$0x6] =	wrdreg s17;
	v9 =	vimm.s32 $0x1B0A7968;
	v8 =	vunpack.c.0.s8.s32 v8;
	v7 =	vunpack.c.0.s8.s32 v7  }
0x1a: {  	s11 =	simm.s32 $0x19640;
	v13 =	vunpack.c.l.s4.s8 v13;
	s20 =	sadd.s32 $0x9E34, s6;
	[dreg:$0x8] =	wrdreg s19;
	v10 =	vunpack.c.0.s8.s32 v10;
	v9 =	vunpack.c.0.s8.s32 v9  }
0x1b: {  	s21 =	sadd.s32 $0x2EE, s1;
	s8 =	sadd.s32 s2, s8;
	[dreg:$0x9] =	wrdreg s20;
	v5 =	vsel vm0, v6, v5;
	v6 =	vsel vm0, v8, v7;
	v7 =	vimm.s32 $0x2B1A0978  }
0x1c: {  	s12 =	simm.s32 $0x1DC90;
	s22 =	sadd.s32 s5, s21;
	[dreg:$0xa] =	wrdreg s8;
	v8 =	vsel vm0, v10, v9;
	v9 =	vsel vm0, v12, v11;
	v10 =	vimm.s32 $0x6F5E4D3C  }
0x1d: {  	s13 =	simm.s32 $0x4;
	s23 =	sadd.s32 $0x9F2E, s6;
	[dreg:$0xb] =	wrdreg s22;
	v11 =	vimm.s32 $0x23120170;
	v12 =	vimm.s32 $0x67564534;
	v7 =	vunpack.c.0.s8.s32 v7  }
0x1e: {  	s14 =	simm.s32 $0x0;
	s24 =	sadd.s32 s2, s16;
	[dreg:$0xc] =	wrdreg s23;
	v10 =	vunpack.c.0.s8.s32 v10;
	v11 =	vunpack.c.0.s8.s32 v11;
	v12 =	vunpack.c.0.s8.s32 v12  }
0x1f: {  	v16 =	vunpack.c.l.s4.s8 v16;
	s1 =	sadd.s32 $0x3E8, s1;
	s25 =	sadd.s32 $0xA028, s6;
	[dreg:$0xd] =	wrdreg s24;
	v5 =	vcombine.low v6, v5;
	v6 =	vcombine.low v9, v8  }
0x20: {  	s0 =	simm.s32 $0x14CD0;
	s5 =	sadd.s32 s5, s1;
	[dreg:$0xe] =	wrdreg s25;
	v9 =	vimm.s32 $0x7654321;
	v7 =	vsel vm0, v10, v7;
	v8 =	vsel vm0, v12, v11  }
0x21: {  	s26 =	sadd.s32 s2, s21;
	s1 =	sadd.s32 s2, s1;
	[dreg:$0xf] =	wrdreg s5;
	v10 =	vlaneseq.u32;
	v11 =	vimm.s32 $0x10765432;
	v12 =	vunpack.c.l.s4.s8 v9  }
0x22: {  	s2 =	simm.s32 $0x170C0;
	s21 =	simm.s32 $0x1D4C0;
	[dreg:$0x10] =	wrdreg s26;
	v7 =	vcombine.low v8, v7;
	v8 =	vmul.u32 $0x8, v10;
	v9 =	vand.u32 $0x7, v10  }
0x23: {  	[dreg:$0x11] =	wrdreg s1;
	s22 =	simm.s32 $0x1E460;
	s23 =	simm.s32 $0x5;
	v11 =	vunpack.c.l.s4.s8 v11;
	v10 =	vunpack.c.0.s8.s32 v12;
	v12 =	vimm.s32 $0x54321076  }
0x24: {  	v14 =	vunpack.c.l.s4.s8 v14;
	v15 =	vunpack.c.l.s4.s8 v15;
	s24 =	simm.s32 $0x14820;
	s25 =	simm.s32 $0x2;
	s26 =	simm.s32 $0x190;
	v17 =	vunpack.c.l.s4.s8 v12  }
0x25: {  	v16 =	vunpack.c.0.s8.s32 v16;
	s1 =	simm.s32 $0x17D40;
	s5 =	simm.s32 $0x14E60;
	s7 =	simm.s32 $0x189C0;
	v11 =	vunpack.c.0.s8.s32 v11;
	v12 =	vunpack.c.0.s8.s32 v13  }
0x26: {  	s9 =	simm.s32 $0x14FF0;
	s20 =	simm.s32 $0x3;
	s8 =	simm.s32 $0x13880;
	v13 =	vunpack.c.0.s8.s32 v14;
	v14 =	vunpack.c.0.s8.s32 v15;
	v15 =	vunpack.c.0.s8.s32 v17  }
.LBB2_1:
0x27: {  	s15 =	rddreg [dreg:$0x3]  }
0x28: {  	[tilespmem:s22], [sflag:$0x5] =	stream.linear.gather [hbm4b:s15+s3], $0x80, $0x38;
	[tilespmem:$0x1E4E0] =	vst v63  }
0x29: {  	_ =	swait.ge [sflag:s23], $0x80  }
0x2a: {  	[sflag:s23] =	ssyncset.done $0x0  }
0x2b: {  	[sflag:s23] =	ssyncadd.s32 $0xFFFFFF80  }
0x2c: {  	v24 =	vld.idx.msk [tilespmem:v0+s22+$0x0], $0xffff  }
0x2d: {  	v22 =	vld.idx.msk [tilespmem:v1+s22+$0x0], $0xffff  }
0x2e: {  	v17 =	vld.idx.msk [tilespmem:v2+s22+$0x0], $0xffff  }
0x2f: {  	v18 =	vld.idx.msk [tilespmem:v3+s22+$0x0], $0xffff  }
0x30: {  	v19 =	vld.idx.msk [tilespmem:v4+s22+$0x0], $0xffff  }
0x31: {  	v20 =	vld.idx.msk [tilespmem:v5+s22+$0x0], $0xffff  }
0x32: {  	v21 =	vld.idx.msk [tilespmem:v6+s22+$0x0], $0xffff;
	s16 =	rddreg [dreg:$0x0]  }
0x33: {  	v23 =	vld.idx.msk [tilespmem:v7+s22+$0x0], $0xffff;
	[tilespmem:s3], [sflag:$0x1] =	stream.linear.gather [hbm4b:s16+s3], $0x13880, $0x38  }
0x34: {  	_ = 	snop  }
0x35: {  	[tilespmem:s8], [sflag:$0x2] =	stream.linear.gather [hbm4b:s6+s3], $0x7D0, $0x38;
	[tilespmem:$0x1E4E0] =	vst v63  }
0x36: {  	s17 =	rddreg [dreg:$0x4]  }
0x37: {  	[tilespmem:s24], [sflag:$0x2] =	stream.linear.gather [hbm4b:s17+s3], $0x7D0, $0x38;
	[tilespmem:$0x1E4E0] =	vst v63  }
0x38: {  	_ =	swait.ge [sflag:s25], $0x7D0  }
0x39: {  	[sflag:s25] =	ssyncset.done $0x0  }
0x3a: {  	[sflag:s25] =	ssyncadd.s32 $0xFFFFF830  }
0x3b: {  	_ =	swait.ge [sflag:s25], $0x7D0  }
0x3c: {  	[sflag:s25] =	ssyncset.done $0x0  }
0x3d: {  	[sflag:s25] =	ssyncadd.s32 $0xFFFFF830  }
0x3e: {  	[tilespmem:s28], [sflag:$0x3] =	stream.indirect.gather [hbm4b:s4+s26], $0x8, s24, s26, $0xb8;
	[tilespmem:$0x1E4E0] =	vst v63  }
0x3f: {  	_ = 	snop  }
0x40: {  	[tilespmem:s30], [sflag:$0x3] =	stream.indirect.gather [hbm4b:s4+s26], $0x8, s29, s26, $0xb8;
	[tilespmem:$0x1E4E0] =	vst v63  }
0x41: {  	_ = 	snop  }
0x42: {  	[tilespmem:s2], [sflag:$0x3] =	stream.indirect.gather [hbm4b:s4+s26], $0x8, s31, s26, $0xb8;
	[tilespmem:$0x1E4E0] =	vst v63  }
0x43: {  	_ = 	snop  }
0x44: {  	[tilespmem:s1], [sflag:$0x3] =	stream.indirect.gather [hbm4b:s4+s26], $0x8, s0, s26, $0xb8;
	[tilespmem:$0x1E4E0] =	vst v63  }
0x45: {  	_ = 	snop  }
0x46: {  	[tilespmem:s7], [sflag:$0x3] =	stream.indirect.gather [hbm4b:s4+s26], $0x8, s5, s26, $0xb8;
	[tilespmem:$0x1E4E0] =	vst v63  }
0x47: {  	s16 =	simm.s32 $0x14050;
	s18 =	rddreg [dreg:$0x6]  }
0x48: {  	[tilespmem:s16], [sflag:$0x2] =	stream.linear.gather [hbm4b:s18+s3], $0x7D0, $0x38;
	[tilespmem:$0x1E4E0] =	vst v63  }
0x49: {  	s19 =	rddreg [dreg:$0x5]  }
0x4a: {  	[tilespmem:s9], [sflag:$0x2] =	stream.linear.gather [hbm4b:s19+s3], $0x7D0, $0x38;
	[tilespmem:$0x1E4E0] =	vst v63  }
0x4b: {  	_ =	swait.ge [sflag:s10], $0x13880  }
0x4c: {  	[sflag:s10] =	ssyncset.done $0x0  }
0x4d: {  	[sflag:s10] =	ssyncadd.s32 $0xFFFEC780  }
0x4e: {  	_ =	swait.ge [sflag:s25], $0x7D0  }
0x4f: {  	[sflag:s25] =	ssyncset.done $0x0  }
0x50: {  	[sflag:s25] =	ssyncadd.s32 $0xFFFFF830  }
0x51: {  	_ =	swait.ge [sflag:s25], $0x7D0  }
0x52: {  	[sflag:s25] =	ssyncset.done $0x0  }
0x53: {  	[sflag:s25] =	ssyncadd.s32 $0xFFFFF830  }
0x54: {  	[tilespmem:s11], [sflag:$0x3] =	stream.indirect.gather [hbm4b:s4+s26], $0x8, s9, s26, $0xb8;
	[tilespmem:$0x1E4E0] =	vst v63  }
0x55: {  	s17 =	simm.s32 $0x1A2C0;
	s16 =	simm.s32 $0x15180  }
0x56: {  	[tilespmem:s17], [sflag:$0x3] =	stream.indirect.gather [hbm4b:s4+s26], $0x8, s16, s26, $0xb8;
	[tilespmem:$0x1E4E0] =	vst v63  }
0x57: {  	s18 =	simm.s32 $0x15310;
	s19 =	simm.s32 $0x1AF40  }
0x58: {  	[tilespmem:s19], [sflag:$0x3] =	stream.indirect.gather [hbm4b:s4+s26], $0x8, s18, s26, $0xb8;
	[tilespmem:$0x1E4E0] =	vst v63  }
0x59: {  	s16 =	simm.s32 $0x154A0;
	s17 =	simm.s32 $0x1BBC0  }
0x5a: {  	[tilespmem:s17], [sflag:$0x3] =	stream.indirect.gather [hbm4b:s4+s26], $0x8, s16, s26, $0xb8;
	[tilespmem:$0x1E4E0] =	vst v63  }
0x5b: {  	s18 =	simm.s32 $0x15630;
	s19 =	simm.s32 $0x1C840  }
0x5c: {  	[tilespmem:s19], [sflag:$0x3] =	stream.indirect.gather [hbm4b:s4+s26], $0x8, s18, s26, $0xb8;
	[tilespmem:$0x1E4E0] =	vst v63  }
0x5d: {  	_ =	swait.ge [sflag:s20], $0xC80  }
0x5e: {  	[sflag:s20] =	ssyncset.done $0x0  }
0x5f: {  	[sflag:s20] =	ssyncadd.s32 $0xFFFFF380  }
0x60: {  	_ =	swait.ge [sflag:s20], $0xC80  }
0x61: {  	[sflag:s20] =	ssyncset.done $0x0  }
0x62: {  	[sflag:s20] =	ssyncadd.s32 $0xFFFFF380  }
0x63: {  	_ =	swait.ge [sflag:s20], $0xC80  }
0x64: {  	[sflag:s20] =	ssyncset.done $0x0  }
0x65: {  	[sflag:s20] =	ssyncadd.s32 $0xFFFFF380  }
0x66: {  	_ =	swait.ge [sflag:s20], $0xC80  }
0x67: {  	v25 =	vmov s3;
	[sflag:s20] =	ssyncset.done $0x0  }
0x68: {  	v25 =	vshll.u32 v25, $0x3;
	[sflag:s20] =	ssyncadd.s32 $0xFFFFF380  }
0x69: {  	v25 =	vor.u32 v8, v25;
	_ =	swait.ge [sflag:s20], $0xC80  }
0x6a: {  	v26 =	vor.u32 v9, v25;
	[sflag:s20] =	ssyncset.done $0x0  }
0x6b: {  	v27 =	vor.u32 v10, v25;
	[sflag:s20] =	ssyncadd.s32 $0xFFFFF380  }
0x6c: {  	v29 =	vor.u32 v14, v25;
	v30 =	vld [tilespmem:s8+$0x0]  }
0x6d: {  	v31 =	vor.u32 v15, v25  }
0x6e: {  	v32 =	vor.u32 v12, v25  }
0x6f: {  	v34 =	vor.u32 v11, v25;
	v26 =	vld.idx.msk [tilespmem:v26+s28+$0x0], $0xffff  }
0x70: {  	v33 =	vor.u32 v13, v25;
	v28 =	vld.idx.msk [tilespmem:v27+s28+$0x0], $0xffff  }
0x71: {  	v35 =	vor.u32 v16, v25;
	v29 =	vld.idx.msk [tilespmem:v29+s28+$0x0], $0xffff;
	v40 =	vshll.u32 v30, $0x3  }
0x72: {  	v27 =	vld.idx.msk [tilespmem:v31+s28+$0x0], $0xffff;
	v36 =	vor.u32 v16, v40  }
0x73: {  	v25 =	vld.idx.msk [tilespmem:v32+s28+$0x0], $0xffff;
	v37 =	vor.u32 v9, v40  }
0x74: {  	v31 =	vld.idx.msk [tilespmem:v34+s28+$0x0], $0xffff;
	v62 =	vor.u32 v10, v40  }
0x75: {  	v30 =	vld.idx.msk [tilespmem:v33+s28+$0x0], $0xffff;
	v38 =	vor.u32 v14, v40  }
0x76: {  	v33 =	vld.idx.msk [tilespmem:v35+s28+$0x0], $0xffff;
	v63 =	vor.u32 v11, v40  }
0x77: {  	v32 =	vor.u32 v12, v40;
	v39 =	vor.u32 v13, v40;
	v40 =	vor.u32 v15, v40;
	v36 =	vld.idx.msk [tilespmem:v36+s3+$0x0], $0xffff  }
0x78: {  	v35 =	vld.idx.msk [tilespmem:v37+s3+$0x0], $0xffff  }
0x79: {  	v37 =	vld.idx.msk [tilespmem:v62+s3+$0x0], $0xffff  }
0x7a: {  	s15 =	simm.s32 $0x1D4C0;
	v38 =	vld.idx.msk [tilespmem:v38+s3+$0x0], $0xffff  }
0x7b: {  	s16 =	simm.s32 $0x10;
	s17 =	simm.s32 $0x13880;
	s18 =	simm.s32 $0x1D4C0;
	v34 =	vld.idx.msk [tilespmem:v63+s3+$0x0], $0xffff  }
.LBB2_2:
0x7c: {  	p0 =	sne.s32 s16, $0x7C0;
	v40 =	vld.idx.msk [tilespmem:v40+s3+$0x0], $0xffff;
	s17 =	sadd.s32 $0x10, s17;
	s18 =	sadd.s32 $0x10, s18  }
0x7d: {  	s19 =	smov.u32 s16;
	s16 =	sadd.s32 $0x10, s16;
	v39 =	vld.idx.msk [tilespmem:v39+s3+$0x0], $0xffff  }
0x7e: {  	v33 =	vadd.f32 v33, v36;
	v32 =	vld.idx.msk [tilespmem:v32+s3+$0x0], $0xffff  }
0x7f: {  	v26 =	vadd.f32 v26, v35;
	v28 =	vadd.f32 v28, v37  }
0x80: {  	v33 =	vmax.f32 v33, $0.0e+00;
	v29 =	vadd.f32 v29, v38  }
0x81: {  	v26 =	vmax.f32 v26, $0.0e+00;
	v28 =	vmax.f32 v28, $0.0e+00;
	v31 =	vadd.f32 v31, v34  }
0x82: {  	v26 =	vmul.f32 v26, v24;
	v29 =	vmax.f32 v29, $0.0e+00;
	v27 =	vadd.f32 v27, v40  }
0x83: {  	v28 =	vmul.f32 v28, v22;
	v31 =	vmax.f32 v31, $0.0e+00;
	v30 =	vadd.f32 v30, v39  }
0x84: {  	v25 =	vadd.f32 v25, v32;
	v27 =	vmax.f32 v27, $0.0e+00;
	v32 =	vmul.f32 v33, v23  }
0x85: {  	v26 =	vadd.f32 v28, v26;
	v30 =	vmax.f32 v30, $0.0e+00;
	v27 =	vmul.f32 v27, v21  }
0x86: {  	v29 =	vmul.f32 v29, v20;
	v25 =	vmax.f32 v25, $0.0e+00;
	v28 =	vmul.f32 v30, v19  }
0x87: {  	v31 =	vmul.f32 v31, v17;
	v30 =	vmov s19;
	v25 =	vmul.f32 v25, v18  }
0x88: {  	v30 =	vshll.u32 v30, $0x3;
	v28 =	vadd.f32 v29, v28  }
0x89: {  	v27 =	vadd.f32 v32, v27;
	v29 =	vor.u32 v8, v30;
	v25 =	vadd.f32 v25, v31  }
0x8a: {  	v30 =	vor.u32 v9, v29;
	v33 =	vor.u32 v16, v29  }
0x8b: {  	v31 =	vor.u32 v11, v29;
	v25 =	vadd.f32 v25, v26;
	v26 =	vadd.f32 v27, v28  }
0x8c: {  	v27 =	vor.u32 v10, v29  }
0x8d: {  	v32 =	vor.u32 v14, v29;
	v34 =	vor.u32 v15, v29;
	v25 =	vadd.f32 v26, v25;
	_ =	sdelay $0x1  }
0x8e: {  	[tilespmem:s15+$0x0] =	vst v25;
	s15 =	smov.u32 s18  }
0x8f: {  	v25 =	vld [tilespmem:s17+$0x0]  }
0x90: {  	v26 =	vld.idx.msk [tilespmem:v30+s28+$0x0], $0xffff  }
0x91: {  	v30 =	vor.u32 v12, v29;
	v28 =	vld.idx.msk [tilespmem:v27+s28+$0x0], $0xffff  }
0x92: {  	v35 =	vor.u32 v13, v29;
	v29 =	vld.idx.msk [tilespmem:v32+s28+$0x0], $0xffff;
	_ =	sdelay $0x1  }
0x93: {  	v36 =	vshll.u32 v25, $0x3  }
0x94: {  	v32 =	vor.u32 v12, v36;
	v38 =	vor.u32 v14, v36;
	v27 =	vld.idx.msk [tilespmem:v34+s28+$0x0], $0xffff;
	v34 =	vor.u32 v16, v36  }
0x95: {  	v37 =	vor.u32 v9, v36;
	v41 =	vor.u32 v10, v36;
	v39 =	vor.u32 v13, v36;
	v25 =	vld.idx.msk [tilespmem:v30+s28+$0x0], $0xffff  }
0x96: {  	v42 =	vor.u32 v11, v36;
	v40 =	vor.u32 v15, v36;
	v30 =	vld.idx.msk [tilespmem:v35+s28+$0x0], $0xffff  }
0x97: {  	v31 =	vld.idx.msk [tilespmem:v31+s28+$0x0], $0xffff  }
0x98: {  	v33 =	vld.idx.msk [tilespmem:v33+s28+$0x0], $0xffff  }
.Ltmp0:
0x99: {  	v36 =	vld.idx.msk [tilespmem:v34+s3+$0x0], $0xffff;
	(pc) =	sbr.rel @p0 .LBB2_2-.Ltmp0, $4  }
0x9a: {  	v35 =	vld.idx.msk [tilespmem:v37+s3+$0x0], $0xffff  }
0x9b: {  	v37 =	vld.idx.msk [tilespmem:v41+s3+$0x0], $0xffff  }
0x9c: {  	v38 =	vld.idx.msk [tilespmem:v38+s3+$0x0], $0xffff  }
0x9d: {  	v34 =	vld.idx.msk [tilespmem:v42+s3+$0x0], $0xffff  }
0x9e: {  	_ =	sdelay $0x3  }
0x9f: {  	v40 =	vld.idx.msk [tilespmem:v40+s3+$0x0], $0xffff  }
0xa0: {  	v39 =	vld.idx.msk [tilespmem:v39+s3+$0x0], $0xffff;
	v33 =	vadd.f32 v33, v36  }
0xa1: {  	v32 =	vld.idx.msk [tilespmem:v32+s3+$0x0], $0xffff;
	v26 =	vadd.f32 v26, v35  }
0xa2: {  	v28 =	vadd.f32 v28, v37;
	v33 =	vmax.f32 v33, $0.0e+00  }
0xa3: {  	v29 =	vadd.f32 v29, v38;
	v26 =	vmax.f32 v26, $0.0e+00;
	v54 =	vmul.f32 v33, v23  }
0xa4: {  	v28 =	vmax.f32 v28, $0.0e+00;
	v31 =	vadd.f32 v31, v34;
	v26 =	vmul.f32 v26, v24  }
0xa5: {  	v27 =	vadd.f32 v27, v40;
	v29 =	vmax.f32 v29, $0.0e+00;
	v30 =	vadd.f32 v30, v39  }
0xa6: {  	v28 =	vmul.f32 v28, v22;
	v25 =	vadd.f32 v25, v32;
	v31 =	vmax.f32 v31, $0.0e+00  }
0xa7: {  	v29 =	vmul.f32 v29, v20;
	v27 =	vmax.f32 v27, $0.0e+00;
	v30 =	vmax.f32 v30, $0.0e+00  }
0xa8: {  	v25 =	vmax.f32 v25, $0.0e+00;
	v31 =	vmul.f32 v31, v17;
	v30 =	vmul.f32 v30, v19  }
0xa9: {  	v27 =	vmul.f32 v27, v21;
	v25 =	vmul.f32 v25, v18  }
0xaa: {  	v26 =	vadd.f32 v28, v26;
	v28 =	vadd.f32 v29, v30  }
0xab: {  	v25 =	vadd.f32 v25, v31;
	v27 =	vadd.f32 v54, v27;
	_ =	sdelay $0x1  }
0xac: {  	v25 =	vadd.f32 v25, v26;
	v26 =	vadd.f32 v27, v28;
	_ =	sdelay $0x1  }
0xad: {  	v25 =	vadd.f32 v26, v25;
	_ =	sdelay $0x1  }
0xae: {  	s17 =	simm.s32 $0x0;
	s16 =	rddreg [dreg:$0x7];
	[tilespmem:s15+$0x0] =	vst v25  }
0xaf: {  	[hbm4b:s16+s17] =	stream.linear.scatter [tilespmem:s21], [sflag:$0x4], $0x7D0, $0x38;
	[tilespmem:$0x1E4E0] =	vst v63  }
0xb0: {  	s18 =	rddreg [dreg:$0x8]  }
0xb1: {  	[tilespmem:s8], [sflag:$0x2] =	stream.linear.gather [hbm4b:s18+s17], $0x7D0, $0x38;
	[tilespmem:$0x1E4E0] =	vst v63  }
0xb2: {  	s19 =	rddreg [dreg:$0x9]  }
0xb3: {  	[tilespmem:s24], [sflag:$0x2] =	stream.linear.gather [hbm4b:s19+s17], $0x7D0, $0x38;
	[tilespmem:$0x1E4E0] =	vst v63  }
0xb4: {  	_ =	swait.ge [sflag:s25], $0x7D0  }
0xb5: {  	[sflag:s25] =	ssyncset.done $0x0  }
0xb6: {  	[sflag:s25] =	ssyncadd.s32 $0xFFFFF830  }
0xb7: {  	_ =	swait.ge [sflag:s25], $0x7D0  }
0xb8: {  	[sflag:s25] =	ssyncset.done $0x0  }
0xb9: {  	[sflag:s25] =	ssyncadd.s32 $0xFFFFF830  }
0xba: {  	[tilespmem:s28], [sflag:$0x3] =	stream.indirect.gather [hbm4b:s4+s26], $0x8, s24, s26, $0xb8;
	[tilespmem:$0x1E4E0] =	vst v63  }
0xbb: {  	_ = 	snop  }
0xbc: {  	[tilespmem:s30], [sflag:$0x3] =	stream.indirect.gather [hbm4b:s4+s26], $0x8, s29, s26, $0xb8;
	[tilespmem:$0x1E4E0] =	vst v63  }
0xbd: {  	_ = 	snop  }
0xbe: {  	[tilespmem:s2], [sflag:$0x3] =	stream.indirect.gather [hbm4b:s4+s26], $0x8, s31, s26, $0xb8;
	[tilespmem:$0x1E4E0] =	vst v63  }
0xbf: {  	_ = 	snop  }
0xc0: {  	[tilespmem:s1], [sflag:$0x3] =	stream.indirect.gather [hbm4b:s4+s26], $0x8, s0, s26, $0xb8;
	[tilespmem:$0x1E4E0] =	vst v63  }
0xc1: {  	_ = 	snop  }
0xc2: {  	[tilespmem:s7], [sflag:$0x3] =	stream.indirect.gather [hbm4b:s4+s26], $0x8, s5, s26, $0xb8;
	[tilespmem:$0x1E4E0] =	vst v63  }
0xc3: {  	_ =	swait.ge [sflag:s20], $0xC80  }
0xc4: {  	[sflag:s20] =	ssyncset.done $0x0  }
0xc5: {  	[sflag:s20] =	ssyncadd.s32 $0xFFFFF380  }
0xc6: {  	_ =	swait.ge [sflag:s20], $0xC80  }
0xc7: {  	[sflag:s20] =	ssyncset.done $0x0  }
0xc8: {  	[sflag:s20] =	ssyncadd.s32 $0xFFFFF380  }
0xc9: {  	_ =	swait.ge [sflag:s20], $0xC80  }
0xca: {  	[sflag:s20] =	ssyncset.done $0x0  }
0xcb: {  	[sflag:s20] =	ssyncadd.s32 $0xFFFFF380  }
0xcc: {  	_ =	swait.ge [sflag:s20], $0xC80  }
0xcd: {  	v25 =	vmov s17;
	[sflag:s20] =	ssyncset.done $0x0  }
0xce: {  	v25 =	vshll.u32 v25, $0x3;
	[sflag:s20] =	ssyncadd.s32 $0xFFFFF380  }
0xcf: {  	v25 =	vor.u32 v8, v25;
	_ =	swait.ge [sflag:s20], $0xC80  }
0xd0: {  	v26 =	vor.u32 v9, v25;
	[sflag:s20] =	ssyncset.done $0x0  }
0xd1: {  	s16 =	simm.s32 $0x14050;
	v27 =	vor.u32 v10, v25;
	[sflag:s20] =	ssyncadd.s32 $0xFFFFF380  }
0xd2: {  	v29 =	vor.u32 v14, v25;
	v30 =	vld [tilespmem:s16+$0x0]  }
0xd3: {  	v31 =	vor.u32 v15, v25  }
0xd4: {  	v55 =	vor.u32 v12, v25  }
0xd5: {  	v57 =	vor.u32 v11, v25;
	v26 =	vld.idx.msk [tilespmem:v26+s11+$0x0], $0xffff  }
0xd6: {  	v58 =	vor.u32 v16, v25;
	v28 =	vld.idx.msk [tilespmem:v27+s11+$0x0], $0xffff  }
0xd7: {  	v56 =	vor.u32 v13, v25;
	v29 =	vld.idx.msk [tilespmem:v29+s11+$0x0], $0xffff;
	v59 =	vshll.u32 v30, $0x3  }
0xd8: {  	v27 =	vld.idx.msk [tilespmem:v31+s11+$0x0], $0xffff;
	v60 =	vor.u32 v16, v59  }
0xd9: {  	v25 =	vld.idx.msk [tilespmem:v55+s11+$0x0], $0xffff;
	v61 =	vor.u32 v9, v59  }
0xda: {  	v31 =	vld.idx.msk [tilespmem:v57+s11+$0x0], $0xffff;
	v62 =	vor.u32 v10, v59  }
0xdb: {  	v33 =	vld.idx.msk [tilespmem:v58+s11+$0x0], $0xffff;
	v63 =	vor.u32 v14, v59  }
0xdc: {  	v30 =	vld.idx.msk [tilespmem:v56+s11+$0x0], $0xffff;
	v41 =	vor.u32 v11, v59  }
0xdd: {  	v40 =	vor.u32 v15, v59;
	v36 =	vld.idx.msk [tilespmem:v60+s3+$0x0], $0xffff  }
0xde: {  	v39 =	vor.u32 v13, v59;
	v34 =	vld.idx.msk [tilespmem:v61+s3+$0x0], $0xffff  }
0xdf: {  	v32 =	vor.u32 v12, v59;
	v37 =	vld.idx.msk [tilespmem:v62+s3+$0x0], $0xffff  }
0xe0: {  	v38 =	vld.idx.msk [tilespmem:v63+s3+$0x0], $0xffff  }
0xe1: {  	s15 =	simm.s32 $0x1DC90;
	s18 =	simm.s32 $0x10;
	s17 =	simm.s32 $0x1DC90;
	v35 =	vld.idx.msk [tilespmem:v41+s3+$0x0], $0xffff  }
.LBB2_4:
0xe2: {  	p0 =	sne.s32 s18, $0x7C0;
	v40 =	vld.idx.msk [tilespmem:v40+s3+$0x0], $0xffff;
	s16 =	sadd.s32 $0x10, s16;
	s17 =	sadd.s32 $0x10, s17  }
0xe3: {  	s19 =	smov.u32 s18;
	s18 =	sadd.s32 $0x10, s18;
	v39 =	vld.idx.msk [tilespmem:v39+s3+$0x0], $0xffff  }
0xe4: {  	v33 =	vadd.f32 v33, v36;
	v32 =	vld.idx.msk [tilespmem:v32+s3+$0x0], $0xffff  }
0xe5: {  	v26 =	vadd.f32 v26, v34;
	v28 =	vadd.f32 v28, v37  }
0xe6: {  	v33 =	vmax.f32 v33, $0.0e+00;
	v29 =	vadd.f32 v29, v38  }
0xe7: {  	v26 =	vmax.f32 v26, $0.0e+00;
	v28 =	vmax.f32 v28, $0.0e+00;
	v31 =	vadd.f32 v31, v35  }
0xe8: {  	v26 =	vmul.f32 v26, v24;
	v29 =	vmax.f32 v29, $0.0e+00;
	v27 =	vadd.f32 v27, v40  }
0xe9: {  	v28 =	vmul.f32 v28, v22;
	v31 =	vmax.f32 v31, $0.0e+00;
	v30 =	vadd.f32 v30, v39  }
0xea: {  	v25 =	vadd.f32 v25, v32;
	v27 =	vmax.f32 v27, $0.0e+00;
	v32 =	vmul.f32 v33, v23  }
0xeb: {  	v26 =	vadd.f32 v28, v26;
	v30 =	vmax.f32 v30, $0.0e+00;
	v27 =	vmul.f32 v27, v21  }
0xec: {  	v29 =	vmul.f32 v29, v20;
	v25 =	vmax.f32 v25, $0.0e+00;
	v28 =	vmul.f32 v30, v19  }
0xed: {  	v31 =	vmul.f32 v31, v17;
	v30 =	vmov s19;
	v25 =	vmul.f32 v25, v18  }
0xee: {  	v30 =	vshll.u32 v30, $0x3;
	v28 =	vadd.f32 v29, v28  }
0xef: {  	v27 =	vadd.f32 v32, v27;
	v29 =	vor.u32 v8, v30;
	v25 =	vadd.f32 v25, v31  }
0xf0: {  	v30 =	vor.u32 v9, v29;
	v33 =	vor.u32 v16, v29  }
0xf1: {  	v31 =	vor.u32 v11, v29;
	v25 =	vadd.f32 v25, v26;
	v26 =	vadd.f32 v27, v28  }
0xf2: {  	v27 =	vor.u32 v10, v29  }
0xf3: {  	v32 =	vor.u32 v14, v29;
	v34 =	vor.u32 v15, v29;
	v25 =	vadd.f32 v26, v25;
	_ =	sdelay $0x1  }
0xf4: {  	[tilespmem:s15+$0x0] =	vst v25;
	s15 =	smov.u32 s17  }
0xf5: {  	v25 =	vld [tilespmem:s16+$0x0]  }
0xf6: {  	v26 =	vld.idx.msk [tilespmem:v30+s11+$0x0], $0xffff  }
0xf7: {  	v30 =	vor.u32 v12, v29;
	v28 =	vld.idx.msk [tilespmem:v27+s11+$0x0], $0xffff  }
0xf8: {  	v35 =	vor.u32 v13, v29;
	v29 =	vld.idx.msk [tilespmem:v32+s11+$0x0], $0xffff;
	_ =	sdelay $0x1  }
0xf9: {  	v36 =	vshll.u32 v25, $0x3  }
0xfa: {  	v32 =	vor.u32 v12, v36;
	v38 =	vor.u32 v14, v36;
	v27 =	vld.idx.msk [tilespmem:v34+s11+$0x0], $0xffff;
	v34 =	vor.u32 v16, v36  }
0xfb: {  	v37 =	vor.u32 v9, v36;
	v41 =	vor.u32 v10, v36;
	v39 =	vor.u32 v13, v36;
	v25 =	vld.idx.msk [tilespmem:v30+s11+$0x0], $0xffff  }
0xfc: {  	v42 =	vor.u32 v11, v36;
	v40 =	vor.u32 v15, v36;
	v30 =	vld.idx.msk [tilespmem:v35+s11+$0x0], $0xffff  }
0xfd: {  	v31 =	vld.idx.msk [tilespmem:v31+s11+$0x0], $0xffff  }
0xfe: {  	v33 =	vld.idx.msk [tilespmem:v33+s11+$0x0], $0xffff  }
.Ltmp1:
0xff: {  	v36 =	vld.idx.msk [tilespmem:v34+s3+$0x0], $0xffff;
	(pc) =	sbr.rel @p0 .LBB2_4-.Ltmp1, $4  }
0x100: {  	v34 =	vld.idx.msk [tilespmem:v37+s3+$0x0], $0xffff  }
0x101: {  	v37 =	vld.idx.msk [tilespmem:v41+s3+$0x0], $0xffff  }
0x102: {  	v38 =	vld.idx.msk [tilespmem:v38+s3+$0x0], $0xffff  }
0x103: {  	v35 =	vld.idx.msk [tilespmem:v42+s3+$0x0], $0xffff  }
0x104: {  	_ =	sdelay $0x3  }
0x105: {  	v40 =	vld.idx.msk [tilespmem:v40+s3+$0x0], $0xffff  }
0x106: {  	v39 =	vld.idx.msk [tilespmem:v39+s3+$0x0], $0xffff;
	v33 =	vadd.f32 v33, v36  }
0x107: {  	v32 =	vld.idx.msk [tilespmem:v32+s3+$0x0], $0xffff;
	v26 =	vadd.f32 v26, v34  }
0x108: {  	v28 =	vadd.f32 v28, v37;
	v33 =	vmax.f32 v33, $0.0e+00  }
0x109: {  	v29 =	vadd.f32 v29, v38;
	v26 =	vmax.f32 v26, $0.0e+00;
	v54 =	vmul.f32 v33, v23  }
0x10a: {  	v28 =	vmax.f32 v28, $0.0e+00;
	v31 =	vadd.f32 v31, v35;
	v26 =	vmul.f32 v26, v24  }
0x10b: {  	v27 =	vadd.f32 v27, v40;
	v29 =	vmax.f32 v29, $0.0e+00;
	v30 =	vadd.f32 v30, v39  }
0x10c: {  	v28 =	vmul.f32 v28, v22;
	v25 =	vadd.f32 v25, v32;
	v31 =	vmax.f32 v31, $0.0e+00  }
0x10d: {  	v29 =	vmul.f32 v29, v20;
	v27 =	vmax.f32 v27, $0.0e+00;
	v30 =	vmax.f32 v30, $0.0e+00  }
0x10e: {  	v25 =	vmax.f32 v25, $0.0e+00;
	v31 =	vmul.f32 v31, v17;
	v30 =	vmul.f32 v30, v19  }
0x10f: {  	v27 =	vmul.f32 v27, v21;
	v25 =	vmul.f32 v25, v18  }
0x110: {  	v26 =	vadd.f32 v28, v26;
	v28 =	vadd.f32 v29, v30  }
0x111: {  	v25 =	vadd.f32 v25, v31;
	v27 =	vadd.f32 v54, v27;
	_ =	sdelay $0x1  }
0x112: {  	v25 =	vadd.f32 v25, v26;
	v26 =	vadd.f32 v27, v28;
	_ =	sdelay $0x1  }
0x113: {  	v25 =	vadd.f32 v26, v25;
	_ =	sdelay $0x1  }
0x114: {  	s16 =	rddreg [dreg:$0xa];
	[tilespmem:s15+$0x0] =	vst v25;
	s15 =	simm.s32 $0x0  }
0x115: {  	[hbm4b:s16+s15] =	stream.linear.scatter [tilespmem:s12], [sflag:$0x4], $0x7D0, $0x38;
	[tilespmem:$0x1E4E0] =	vst v63  }
0x116: {  	s19 =	rddreg [dreg:$0xb];
	s17 =	simm.s32 $0x14050  }
0x117: {  	[tilespmem:s17], [sflag:$0x2] =	stream.linear.gather [hbm4b:s19+s15], $0x7D0, $0x38;
	[tilespmem:$0x1E4E0] =	vst v63  }
0x118: {  	s17 =	rddreg [dreg:$0xc]  }
0x119: {  	[tilespmem:s9], [sflag:$0x2] =	stream.linear.gather [hbm4b:s17+s15], $0x7D0, $0x38;
	[tilespmem:$0x1E4E0] =	vst v63  }
0x11a: {  	_ =	swait.ge [sflag:s25], $0x7D0  }
0x11b: {  	[sflag:s25] =	ssyncset.done $0x0  }
0x11c: {  	[sflag:s25] =	ssyncadd.s32 $0xFFFFF830  }
0x11d: {  	_ =	swait.ge [sflag:s25], $0x7D0  }
0x11e: {  	[sflag:s25] =	ssyncset.done $0x0  }
0x11f: {  	[sflag:s25] =	ssyncadd.s32 $0xFFFFF830  }
0x120: {  	[tilespmem:s11], [sflag:$0x3] =	stream.indirect.gather [hbm4b:s4+s26], $0x8, s9, s26, $0xb8;
	[tilespmem:$0x1E4E0] =	vst v63  }
0x121: {  	s18 =	simm.s32 $0x15180;
	s19 =	simm.s32 $0x1A2C0  }
0x122: {  	[tilespmem:s19], [sflag:$0x3] =	stream.indirect.gather [hbm4b:s4+s26], $0x8, s18, s26, $0xb8;
	[tilespmem:$0x1E4E0] =	vst v63  }
0x123: {  	s18 =	simm.s32 $0x15310;
	s19 =	simm.s32 $0x1AF40  }
0x124: {  	[tilespmem:s19], [sflag:$0x3] =	stream.indirect.gather [hbm4b:s4+s26], $0x8, s18, s26, $0xb8;
	[tilespmem:$0x1E4E0] =	vst v63  }
0x125: {  	s18 =	simm.s32 $0x154A0;
	s19 =	simm.s32 $0x1BBC0  }
0x126: {  	[tilespmem:s19], [sflag:$0x3] =	stream.indirect.gather [hbm4b:s4+s26], $0x8, s18, s26, $0xb8;
	[tilespmem:$0x1E4E0] =	vst v63  }
0x127: {  	s18 =	simm.s32 $0x15630;
	s19 =	simm.s32 $0x1C840  }
0x128: {  	[tilespmem:s19], [sflag:$0x3] =	stream.indirect.gather [hbm4b:s4+s26], $0x8, s18, s26, $0xb8;
	[tilespmem:$0x1E4E0] =	vst v63  }
0x129: {  	_ =	swait.ge [sflag:s20], $0xC80  }
0x12a: {  	[sflag:s20] =	ssyncset.done $0x0  }
0x12b: {  	[sflag:s20] =	ssyncadd.s32 $0xFFFFF380  }
0x12c: {  	_ =	swait.ge [sflag:s20], $0xC80  }
0x12d: {  	[sflag:s20] =	ssyncset.done $0x0  }
0x12e: {  	[sflag:s20] =	ssyncadd.s32 $0xFFFFF380  }
0x12f: {  	_ =	swait.ge [sflag:s20], $0xC80  }
0x130: {  	[sflag:s20] =	ssyncset.done $0x0  }
0x131: {  	[sflag:s20] =	ssyncadd.s32 $0xFFFFF380  }
0x132: {  	_ =	swait.ge [sflag:s20], $0xC80  }
0x133: {  	[sflag:s20] =	ssyncset.done $0x0  }
0x134: {  	[sflag:s20] =	ssyncadd.s32 $0xFFFFF380  }
0x135: {  	_ =	swait.ge [sflag:s20], $0xC80  }
0x136: {  	v25 =	vmov s15;
	[sflag:s20] =	ssyncset.done $0x0  }
0x137: {  	v25 =	vshll.u32 v25, $0x3;
	[sflag:s20] =	ssyncadd.s32 $0xFFFFF380  }
0x138: {  	v25 =	vor.u32 v8, v25;
	_ =	swait.ge [sflag:s13], $0x7D0  }
0x139: {  	v26 =	vor.u32 v9, v25;
	[sflag:s13] =	ssyncset.done $0x0  }
0x13a: {  	s16 =	simm.s32 $0x13880;
	v27 =	vor.u32 v10, v25;
	[sflag:s13] =	ssyncadd.s32 $0xFFFFF830  }
0x13b: {  	v29 =	vor.u32 v14, v25;
	v30 =	vld [tilespmem:s16+$0x0]  }
0x13c: {  	v31 =	vor.u32 v15, v25  }
0x13d: {  	v55 =	vor.u32 v12, v25  }
0x13e: {  	v57 =	vor.u32 v11, v25;
	v26 =	vld.idx.msk [tilespmem:v26+s28+$0x0], $0xffff  }
0x13f: {  	v58 =	vor.u32 v16, v25;
	v28 =	vld.idx.msk [tilespmem:v27+s28+$0x0], $0xffff  }
0x140: {  	v56 =	vor.u32 v13, v25;
	v29 =	vld.idx.msk [tilespmem:v29+s28+$0x0], $0xffff;
	v59 =	vshll.u32 v30, $0x3  }
0x141: {  	v27 =	vld.idx.msk [tilespmem:v31+s28+$0x0], $0xffff;
	v60 =	vor.u32 v16, v59  }
0x142: {  	v25 =	vld.idx.msk [tilespmem:v55+s28+$0x0], $0xffff;
	v61 =	vor.u32 v9, v59  }
0x143: {  	v31 =	vld.idx.msk [tilespmem:v57+s28+$0x0], $0xffff;
	v62 =	vor.u32 v10, v59  }
0x144: {  	v33 =	vld.idx.msk [tilespmem:v58+s28+$0x0], $0xffff;
	v63 =	vor.u32 v14, v59  }
0x145: {  	v30 =	vld.idx.msk [tilespmem:v56+s28+$0x0], $0xffff;
	v41 =	vor.u32 v11, v59  }
0x146: {  	v40 =	vor.u32 v15, v59;
	v36 =	vld.idx.msk [tilespmem:v60+s3+$0x0], $0xffff  }
0x147: {  	v39 =	vor.u32 v13, v59;
	v34 =	vld.idx.msk [tilespmem:v61+s3+$0x0], $0xffff  }
0x148: {  	v32 =	vor.u32 v12, v59;
	v37 =	vld.idx.msk [tilespmem:v62+s3+$0x0], $0xffff  }
0x149: {  	v38 =	vld.idx.msk [tilespmem:v63+s3+$0x0], $0xffff  }
0x14a: {  	s17 =	simm.s32 $0x1D4C0;
	s15 =	simm.s32 $0x1D4C0;
	s18 =	simm.s32 $0x10;
	v35 =	vld.idx.msk [tilespmem:v41+s3+$0x0], $0xffff  }
.LBB2_6:
0x14b: {  	p0 =	sne.s32 s18, $0x7C0;
	v40 =	vld.idx.msk [tilespmem:v40+s3+$0x0], $0xffff;
	s16 =	sadd.s32 $0x10, s16;
	s17 =	sadd.s32 $0x10, s17  }
0x14c: {  	s19 =	smov.u32 s18;
	s18 =	sadd.s32 $0x10, s18;
	v39 =	vld.idx.msk [tilespmem:v39+s3+$0x0], $0xffff  }
0x14d: {  	v33 =	vadd.f32 v33, v36;
	v32 =	vld.idx.msk [tilespmem:v32+s3+$0x0], $0xffff  }
0x14e: {  	v26 =	vadd.f32 v26, v34;
	v28 =	vadd.f32 v28, v37  }
0x14f: {  	v33 =	vmax.f32 v33, $0.0e+00;
	v29 =	vadd.f32 v29, v38  }
0x150: {  	v26 =	vmax.f32 v26, $0.0e+00;
	v28 =	vmax.f32 v28, $0.0e+00;
	v31 =	vadd.f32 v31, v35  }
0x151: {  	v26 =	vmul.f32 v26, v24;
	v29 =	vmax.f32 v29, $0.0e+00;
	v27 =	vadd.f32 v27, v40  }
0x152: {  	v28 =	vmul.f32 v28, v22;
	v31 =	vmax.f32 v31, $0.0e+00;
	v30 =	vadd.f32 v30, v39  }
0x153: {  	v25 =	vadd.f32 v25, v32;
	v27 =	vmax.f32 v27, $0.0e+00;
	v32 =	vmul.f32 v33, v23  }
0x154: {  	v26 =	vadd.f32 v28, v26;
	v30 =	vmax.f32 v30, $0.0e+00;
	v27 =	vmul.f32 v27, v21  }
0x155: {  	v29 =	vmul.f32 v29, v20;
	v25 =	vmax.f32 v25, $0.0e+00;
	v28 =	vmul.f32 v30, v19  }
0x156: {  	v31 =	vmul.f32 v31, v17;
	v30 =	vmov s19;
	v25 =	vmul.f32 v25, v18  }
0x157: {  	v30 =	vshll.u32 v30, $0x3;
	v28 =	vadd.f32 v29, v28  }
0x158: {  	v27 =	vadd.f32 v32, v27;
	v29 =	vor.u32 v8, v30;
	v25 =	vadd.f32 v25, v31  }
0x159: {  	v30 =	vor.u32 v9, v29;
	v33 =	vor.u32 v16, v29  }
0x15a: {  	v31 =	vor.u32 v11, v29;
	v25 =	vadd.f32 v25, v26;
	v26 =	vadd.f32 v27, v28  }
0x15b: {  	v27 =	vor.u32 v10, v29  }
0x15c: {  	v32 =	vor.u32 v14, v29;
	v34 =	vor.u32 v15, v29;
	v25 =	vadd.f32 v26, v25;
	_ =	sdelay $0x1  }
0x15d: {  	[tilespmem:s15+$0x0] =	vst v25;
	s15 =	smov.u32 s17  }
0x15e: {  	v25 =	vld [tilespmem:s16+$0x0]  }
0x15f: {  	v26 =	vld.idx.msk [tilespmem:v30+s28+$0x0], $0xffff  }
0x160: {  	v30 =	vor.u32 v12, v29;
	v28 =	vld.idx.msk [tilespmem:v27+s28+$0x0], $0xffff  }
0x161: {  	v35 =	vor.u32 v13, v29;
	v29 =	vld.idx.msk [tilespmem:v32+s28+$0x0], $0xffff;
	_ =	sdelay $0x1  }
0x162: {  	v36 =	vshll.u32 v25, $0x3  }
0x163: {  	v32 =	vor.u32 v12, v36;
	v38 =	vor.u32 v14, v36;
	v27 =	vld.idx.msk [tilespmem:v34+s28+$0x0], $0xffff;
	v34 =	vor.u32 v16, v36  }
0x164: {  	v37 =	vor.u32 v9, v36;
	v41 =	vor.u32 v10, v36;
	v39 =	vor.u32 v13, v36;
	v25 =	vld.idx.msk [tilespmem:v30+s28+$0x0], $0xffff  }
0x165: {  	v42 =	vor.u32 v11, v36;
	v40 =	vor.u32 v15, v36;
	v30 =	vld.idx.msk [tilespmem:v35+s28+$0x0], $0xffff  }
0x166: {  	v31 =	vld.idx.msk [tilespmem:v31+s28+$0x0], $0xffff  }
0x167: {  	v33 =	vld.idx.msk [tilespmem:v33+s28+$0x0], $0xffff  }
.Ltmp2:
0x168: {  	v36 =	vld.idx.msk [tilespmem:v34+s3+$0x0], $0xffff;
	(pc) =	sbr.rel @p0 .LBB2_6-.Ltmp2, $4  }
0x169: {  	v34 =	vld.idx.msk [tilespmem:v37+s3+$0x0], $0xffff  }
0x16a: {  	v37 =	vld.idx.msk [tilespmem:v41+s3+$0x0], $0xffff  }
0x16b: {  	v38 =	vld.idx.msk [tilespmem:v38+s3+$0x0], $0xffff  }
0x16c: {  	v35 =	vld.idx.msk [tilespmem:v42+s3+$0x0], $0xffff  }
0x16d: {  	_ =	sdelay $0x3  }
0x16e: {  	v40 =	vld.idx.msk [tilespmem:v40+s3+$0x0], $0xffff  }
0x16f: {  	v39 =	vld.idx.msk [tilespmem:v39+s3+$0x0], $0xffff;
	v33 =	vadd.f32 v33, v36  }
0x170: {  	v32 =	vld.idx.msk [tilespmem:v32+s3+$0x0], $0xffff;
	v26 =	vadd.f32 v26, v34  }
0x171: {  	v28 =	vadd.f32 v28, v37;
	v33 =	vmax.f32 v33, $0.0e+00  }
0x172: {  	v29 =	vadd.f32 v29, v38;
	v26 =	vmax.f32 v26, $0.0e+00;
	v54 =	vmul.f32 v33, v23  }
0x173: {  	v28 =	vmax.f32 v28, $0.0e+00;
	v31 =	vadd.f32 v31, v35;
	v26 =	vmul.f32 v26, v24  }
0x174: {  	v27 =	vadd.f32 v27, v40;
	v29 =	vmax.f32 v29, $0.0e+00;
	v30 =	vadd.f32 v30, v39  }
0x175: {  	v28 =	vmul.f32 v28, v22;
	v25 =	vadd.f32 v25, v32;
	v31 =	vmax.f32 v31, $0.0e+00  }
0x176: {  	v29 =	vmul.f32 v29, v20;
	v27 =	vmax.f32 v27, $0.0e+00;
	v30 =	vmax.f32 v30, $0.0e+00  }
0x177: {  	v25 =	vmax.f32 v25, $0.0e+00;
	v31 =	vmul.f32 v31, v17;
	v30 =	vmul.f32 v30, v19  }
0x178: {  	v27 =	vmul.f32 v27, v21;
	v25 =	vmul.f32 v25, v18  }
0x179: {  	v26 =	vadd.f32 v28, v26;
	v28 =	vadd.f32 v29, v30  }
0x17a: {  	v25 =	vadd.f32 v25, v31;
	v27 =	vadd.f32 v54, v27;
	_ =	sdelay $0x1  }
0x17b: {  	v25 =	vadd.f32 v25, v26;
	v26 =	vadd.f32 v27, v28;
	_ =	sdelay $0x1  }
0x17c: {  	v25 =	vadd.f32 v26, v25;
	_ =	sdelay $0x1  }
0x17d: {  	s17 =	simm.s32 $0x0;
	s16 =	rddreg [dreg:$0xd];
	[tilespmem:s15+$0x0] =	vst v25  }
0x17e: {  	[hbm4b:s16+s17] =	stream.linear.scatter [tilespmem:s21], [sflag:$0x4], $0x7D0, $0x38;
	[tilespmem:$0x1E4E0] =	vst v63  }
0x17f: {  	s18 =	rddreg [dreg:$0xf]  }
0x180: {  	[tilespmem:s8], [sflag:$0x2] =	stream.linear.gather [hbm4b:s18+s17], $0x7D0, $0x38;
	[tilespmem:$0x1E4E0] =	vst v63  }
0x181: {  	s19 =	rddreg [dreg:$0xe]  }
0x182: {  	[tilespmem:s24], [sflag:$0x2] =	stream.linear.gather [hbm4b:s19+s17], $0x7D0, $0x38;
	[tilespmem:$0x1E4E0] =	vst v63  }
0x183: {  	_ =	swait.ge [sflag:s25], $0x7D0  }
0x184: {  	[sflag:s25] =	ssyncset.done $0x0  }
0x185: {  	[sflag:s25] =	ssyncadd.s32 $0xFFFFF830  }
0x186: {  	_ =	swait.ge [sflag:s25], $0x7D0  }
0x187: {  	[sflag:s25] =	ssyncset.done $0x0  }
0x188: {  	[sflag:s25] =	ssyncadd.s32 $0xFFFFF830  }
0x189: {  	[tilespmem:s28], [sflag:$0x3] =	stream.indirect.gather [hbm4b:s4+s26], $0x8, s24, s26, $0xb8;
	[tilespmem:$0x1E4E0] =	vst v63  }
0x18a: {  	_ = 	snop  }
0x18b: {  	[tilespmem:s30], [sflag:$0x3] =	stream.indirect.gather [hbm4b:s4+s26], $0x8, s29, s26, $0xb8;
	[tilespmem:$0x1E4E0] =	vst v63  }
0x18c: {  	_ = 	snop  }
0x18d: {  	[tilespmem:s2], [sflag:$0x3] =	stream.indirect.gather [hbm4b:s4+s26], $0x8, s31, s26, $0xb8;
	[tilespmem:$0x1E4E0] =	vst v63  }
0x18e: {  	_ = 	snop  }
0x18f: {  	[tilespmem:s1], [sflag:$0x3] =	stream.indirect.gather [hbm4b:s4+s26], $0x8, s0, s26, $0xb8;
	[tilespmem:$0x1E4E0] =	vst v63  }
0x190: {  	_ = 	snop  }
0x191: {  	[tilespmem:s7], [sflag:$0x3] =	stream.indirect.gather [hbm4b:s4+s26], $0x8, s5, s26, $0xb8;
	[tilespmem:$0x1E4E0] =	vst v63  }
0x192: {  	_ =	swait.ge [sflag:s20], $0xC80  }
0x193: {  	[sflag:s20] =	ssyncset.done $0x0  }
0x194: {  	[sflag:s20] =	ssyncadd.s32 $0xFFFFF380  }
0x195: {  	_ =	swait.ge [sflag:s20], $0xC80  }
0x196: {  	[sflag:s20] =	ssyncset.done $0x0  }
0x197: {  	[sflag:s20] =	ssyncadd.s32 $0xFFFFF380  }
0x198: {  	_ =	swait.ge [sflag:s20], $0xC80  }
0x199: {  	[sflag:s20] =	ssyncset.done $0x0  }
0x19a: {  	[sflag:s20] =	ssyncadd.s32 $0xFFFFF380  }
0x19b: {  	_ =	swait.ge [sflag:s20], $0xC80  }
0x19c: {  	[sflag:s20] =	ssyncset.done $0x0  }
0x19d: {  	[sflag:s20] =	ssyncadd.s32 $0xFFFFF380  }
0x19e: {  	_ =	swait.ge [sflag:s20], $0xC80  }
0x19f: {  	v25 =	vmov s17;
	[sflag:s20] =	ssyncset.done $0x0  }
0x1a0: {  	v25 =	vshll.u32 v25, $0x3;
	[sflag:s20] =	ssyncadd.s32 $0xFFFFF380  }
0x1a1: {  	v25 =	vor.u32 v8, v25;
	_ =	swait.ge [sflag:s13], $0x7D0  }
0x1a2: {  	v26 =	vor.u32 v9, v25;
	[sflag:s13] =	ssyncset.done $0x0  }
0x1a3: {  	s16 =	simm.s32 $0x14050;
	v27 =	vor.u32 v10, v25;
	[sflag:s13] =	ssyncadd.s32 $0xFFFFF830  }
0x1a4: {  	v29 =	vor.u32 v14, v25;
	v30 =	vld [tilespmem:s16+$0x0]  }
0x1a5: {  	v31 =	vor.u32 v15, v25  }
0x1a6: {  	v55 =	vor.u32 v12, v25  }
0x1a7: {  	v57 =	vor.u32 v11, v25;
	v26 =	vld.idx.msk [tilespmem:v26+s11+$0x0], $0xffff  }
0x1a8: {  	v58 =	vor.u32 v16, v25;
	v28 =	vld.idx.msk [tilespmem:v27+s11+$0x0], $0xffff  }
0x1a9: {  	v56 =	vor.u32 v13, v25;
	v29 =	vld.idx.msk [tilespmem:v29+s11+$0x0], $0xffff;
	v59 =	vshll.u32 v30, $0x3  }
0x1aa: {  	v27 =	vld.idx.msk [tilespmem:v31+s11+$0x0], $0xffff;
	v60 =	vor.u32 v16, v59  }
0x1ab: {  	v25 =	vld.idx.msk [tilespmem:v55+s11+$0x0], $0xffff;
	v61 =	vor.u32 v9, v59  }
0x1ac: {  	v31 =	vld.idx.msk [tilespmem:v57+s11+$0x0], $0xffff;
	v62 =	vor.u32 v10, v59  }
0x1ad: {  	v33 =	vld.idx.msk [tilespmem:v58+s11+$0x0], $0xffff;
	v63 =	vor.u32 v14, v59  }
0x1ae: {  	v30 =	vld.idx.msk [tilespmem:v56+s11+$0x0], $0xffff;
	v41 =	vor.u32 v11, v59  }
0x1af: {  	v40 =	vor.u32 v15, v59;
	v36 =	vld.idx.msk [tilespmem:v60+s3+$0x0], $0xffff  }
0x1b0: {  	v39 =	vor.u32 v13, v59;
	v34 =	vld.idx.msk [tilespmem:v61+s3+$0x0], $0xffff  }
0x1b1: {  	v32 =	vor.u32 v12, v59;
	v37 =	vld.idx.msk [tilespmem:v62+s3+$0x0], $0xffff  }
0x1b2: {  	v38 =	vld.idx.msk [tilespmem:v63+s3+$0x0], $0xffff  }
0x1b3: {  	s15 =	simm.s32 $0x1DC90;
	s18 =	simm.s32 $0x10;
	s17 =	simm.s32 $0x1DC90;
	v35 =	vld.idx.msk [tilespmem:v41+s3+$0x0], $0xffff  }
.LBB2_8:
0x1b4: {  	p0 =	sne.s32 s18, $0x7C0;
	v40 =	vld.idx.msk [tilespmem:v40+s3+$0x0], $0xffff;
	s16 =	sadd.s32 $0x10, s16;
	s17 =	sadd.s32 $0x10, s17  }
0x1b5: {  	s19 =	smov.u32 s18;
	s18 =	sadd.s32 $0x10, s18;
	v39 =	vld.idx.msk [tilespmem:v39+s3+$0x0], $0xffff  }
0x1b6: {  	v33 =	vadd.f32 v33, v36;
	v32 =	vld.idx.msk [tilespmem:v32+s3+$0x0], $0xffff  }
0x1b7: {  	v26 =	vadd.f32 v26, v34;
	v28 =	vadd.f32 v28, v37  }
0x1b8: {  	v33 =	vmax.f32 v33, $0.0e+00;
	v29 =	vadd.f32 v29, v38  }
0x1b9: {  	v26 =	vmax.f32 v26, $0.0e+00;
	v28 =	vmax.f32 v28, $0.0e+00;
	v31 =	vadd.f32 v31, v35  }
0x1ba: {  	v26 =	vmul.f32 v26, v24;
	v29 =	vmax.f32 v29, $0.0e+00;
	v27 =	vadd.f32 v27, v40  }
0x1bb: {  	v28 =	vmul.f32 v28, v22;
	v31 =	vmax.f32 v31, $0.0e+00;
	v30 =	vadd.f32 v30, v39  }
0x1bc: {  	v25 =	vadd.f32 v25, v32;
	v27 =	vmax.f32 v27, $0.0e+00;
	v32 =	vmul.f32 v33, v23  }
0x1bd: {  	v26 =	vadd.f32 v28, v26;
	v30 =	vmax.f32 v30, $0.0e+00;
	v27 =	vmul.f32 v27, v21  }
0x1be: {  	v29 =	vmul.f32 v29, v20;
	v25 =	vmax.f32 v25, $0.0e+00;
	v28 =	vmul.f32 v30, v19  }
0x1bf: {  	v31 =	vmul.f32 v31, v17;
	v30 =	vmov s19;
	v25 =	vmul.f32 v25, v18  }
0x1c0: {  	v30 =	vshll.u32 v30, $0x3;
	v28 =	vadd.f32 v29, v28  }
0x1c1: {  	v27 =	vadd.f32 v32, v27;
	v29 =	vor.u32 v8, v30;
	v25 =	vadd.f32 v25, v31  }
0x1c2: {  	v30 =	vor.u32 v9, v29;
	v33 =	vor.u32 v16, v29  }
0x1c3: {  	v31 =	vor.u32 v11, v29;
	v25 =	vadd.f32 v25, v26;
	v26 =	vadd.f32 v27, v28  }
0x1c4: {  	v27 =	vor.u32 v10, v29  }
0x1c5: {  	v32 =	vor.u32 v14, v29;
	v34 =	vor.u32 v15, v29;
	v25 =	vadd.f32 v26, v25;
	_ =	sdelay $0x1  }
0x1c6: {  	[tilespmem:s15+$0x0] =	vst v25;
	s15 =	smov.u32 s17  }
0x1c7: {  	v25 =	vld [tilespmem:s16+$0x0]  }
0x1c8: {  	v26 =	vld.idx.msk [tilespmem:v30+s11+$0x0], $0xffff  }
0x1c9: {  	v30 =	vor.u32 v12, v29;
	v28 =	vld.idx.msk [tilespmem:v27+s11+$0x0], $0xffff  }
0x1ca: {  	v35 =	vor.u32 v13, v29;
	v29 =	vld.idx.msk [tilespmem:v32+s11+$0x0], $0xffff;
	_ =	sdelay $0x1  }
0x1cb: {  	v36 =	vshll.u32 v25, $0x3  }
0x1cc: {  	v32 =	vor.u32 v12, v36;
	v38 =	vor.u32 v14, v36;
	v27 =	vld.idx.msk [tilespmem:v34+s11+$0x0], $0xffff;
	v34 =	vor.u32 v16, v36  }
0x1cd: {  	v37 =	vor.u32 v9, v36;
	v41 =	vor.u32 v10, v36;
	v39 =	vor.u32 v13, v36;
	v25 =	vld.idx.msk [tilespmem:v30+s11+$0x0], $0xffff  }
0x1ce: {  	v42 =	vor.u32 v11, v36;
	v40 =	vor.u32 v15, v36;
	v30 =	vld.idx.msk [tilespmem:v35+s11+$0x0], $0xffff  }
0x1cf: {  	v31 =	vld.idx.msk [tilespmem:v31+s11+$0x0], $0xffff  }
0x1d0: {  	v33 =	vld.idx.msk [tilespmem:v33+s11+$0x0], $0xffff  }
.Ltmp3:
0x1d1: {  	v36 =	vld.idx.msk [tilespmem:v34+s3+$0x0], $0xffff;
	(pc) =	sbr.rel @p0 .LBB2_8-.Ltmp3, $4  }
0x1d2: {  	v34 =	vld.idx.msk [tilespmem:v37+s3+$0x0], $0xffff  }
0x1d3: {  	v37 =	vld.idx.msk [tilespmem:v41+s3+$0x0], $0xffff  }
0x1d4: {  	v38 =	vld.idx.msk [tilespmem:v38+s3+$0x0], $0xffff  }
0x1d5: {  	v35 =	vld.idx.msk [tilespmem:v42+s3+$0x0], $0xffff  }
0x1d6: {  	_ =	sdelay $0x3  }
0x1d7: {  	v40 =	vld.idx.msk [tilespmem:v40+s3+$0x0], $0xffff  }
0x1d8: {  	v39 =	vld.idx.msk [tilespmem:v39+s3+$0x0], $0xffff;
	v33 =	vadd.f32 v33, v36  }
0x1d9: {  	v32 =	vld.idx.msk [tilespmem:v32+s3+$0x0], $0xffff;
	v26 =	vadd.f32 v26, v34  }
0x1da: {  	v28 =	vadd.f32 v28, v37;
	v33 =	vmax.f32 v33, $0.0e+00  }
0x1db: {  	v29 =	vadd.f32 v29, v38;
	v26 =	vmax.f32 v26, $0.0e+00;
	v54 =	vmul.f32 v33, v23  }
0x1dc: {  	v28 =	vmax.f32 v28, $0.0e+00;
	v31 =	vadd.f32 v31, v35;
	v26 =	vmul.f32 v26, v24  }
0x1dd: {  	v27 =	vadd.f32 v27, v40;
	v29 =	vmax.f32 v29, $0.0e+00;
	v30 =	vadd.f32 v30, v39  }
0x1de: {  	v28 =	vmul.f32 v28, v22;
	v25 =	vadd.f32 v25, v32;
	v31 =	vmax.f32 v31, $0.0e+00  }
0x1df: {  	v29 =	vmul.f32 v29, v20;
	v27 =	vmax.f32 v27, $0.0e+00;
	v30 =	vmax.f32 v30, $0.0e+00  }
0x1e0: {  	v25 =	vmax.f32 v25, $0.0e+00;
	v31 =	vmul.f32 v31, v17;
	v30 =	vmul.f32 v30, v19  }
0x1e1: {  	v27 =	vmul.f32 v27, v21;
	v25 =	vmul.f32 v25, v18  }
0x1e2: {  	v26 =	vadd.f32 v28, v26;
	v28 =	vadd.f32 v29, v30  }
0x1e3: {  	v25 =	vadd.f32 v25, v31;
	v27 =	vadd.f32 v54, v27;
	_ =	sdelay $0x1  }
0x1e4: {  	v25 =	vadd.f32 v25, v26;
	v26 =	vadd.f32 v27, v28;
	_ =	sdelay $0x1  }
0x1e5: {  	v25 =	vadd.f32 v26, v25;
	_ =	sdelay $0x1  }
0x1e6: {  	s19 =	simm.s32 $0x0;
	s16 =	rddreg [dreg:$0x10];
	[tilespmem:s15+$0x0] =	vst v25  }
0x1e7: {  	[hbm4b:s16+s19] =	stream.linear.scatter [tilespmem:s12], [sflag:$0x4], $0x7D0, $0x38;
	[tilespmem:$0x1E4E0] =	vst v63  }
0x1e8: {  	_ =	swait.ge [sflag:s20], $0xC80  }
0x1e9: {  	[sflag:s20] =	ssyncset.done $0x0  }
0x1ea: {  	[sflag:s20] =	ssyncadd.s32 $0xFFFFF380  }
0x1eb: {  	_ =	swait.ge [sflag:s20], $0xC80  }
0x1ec: {  	[sflag:s20] =	ssyncset.done $0x0  }
0x1ed: {  	[sflag:s20] =	ssyncadd.s32 $0xFFFFF380  }
0x1ee: {  	_ =	swait.ge [sflag:s20], $0xC80  }
0x1ef: {  	[sflag:s20] =	ssyncset.done $0x0  }
0x1f0: {  	[sflag:s20] =	ssyncadd.s32 $0xFFFFF380  }
0x1f1: {  	_ =	swait.ge [sflag:s20], $0xC80  }
0x1f2: {  	[sflag:s20] =	ssyncset.done $0x0  }
0x1f3: {  	[sflag:s20] =	ssyncadd.s32 $0xFFFFF380  }
0x1f4: {  	_ =	swait.ge [sflag:s20], $0xC80  }
0x1f5: {  	v25 =	vmov s19;
	[sflag:s20] =	ssyncset.done $0x0  }
0x1f6: {  	v25 =	vshll.u32 v25, $0x3;
	[sflag:s20] =	ssyncadd.s32 $0xFFFFF380  }
0x1f7: {  	v25 =	vor.u32 v8, v25;
	_ =	swait.ge [sflag:s13], $0x7D0  }
0x1f8: {  	v26 =	vor.u32 v9, v25;
	[sflag:s13] =	ssyncset.done $0x0  }
0x1f9: {  	s16 =	simm.s32 $0x13880;
	v27 =	vor.u32 v10, v25;
	[sflag:s13] =	ssyncadd.s32 $0xFFFFF830  }
0x1fa: {  	v29 =	vor.u32 v14, v25;
	v30 =	vld [tilespmem:s16+$0x0]  }
0x1fb: {  	v31 =	vor.u32 v15, v25  }
0x1fc: {  	v55 =	vor.u32 v12, v25  }
0x1fd: {  	v57 =	vor.u32 v11, v25;
	v26 =	vld.idx.msk [tilespmem:v26+s28+$0x0], $0xffff  }
0x1fe: {  	v58 =	vor.u32 v16, v25;
	v28 =	vld.idx.msk [tilespmem:v27+s28+$0x0], $0xffff  }
0x1ff: {  	v56 =	vor.u32 v13, v25;
	v29 =	vld.idx.msk [tilespmem:v29+s28+$0x0], $0xffff;
	v59 =	vshll.u32 v30, $0x3  }
0x200: {  	v27 =	vld.idx.msk [tilespmem:v31+s28+$0x0], $0xffff;
	v60 =	vor.u32 v16, v59  }
0x201: {  	v25 =	vld.idx.msk [tilespmem:v55+s28+$0x0], $0xffff;
	v61 =	vor.u32 v9, v59  }
0x202: {  	v31 =	vld.idx.msk [tilespmem:v57+s28+$0x0], $0xffff;
	v62 =	vor.u32 v10, v59  }
0x203: {  	v33 =	vld.idx.msk [tilespmem:v58+s28+$0x0], $0xffff;
	v63 =	vor.u32 v14, v59  }
0x204: {  	v30 =	vld.idx.msk [tilespmem:v56+s28+$0x0], $0xffff;
	v41 =	vor.u32 v11, v59  }
0x205: {  	v40 =	vor.u32 v15, v59;
	v36 =	vld.idx.msk [tilespmem:v60+s3+$0x0], $0xffff  }
0x206: {  	v39 =	vor.u32 v13, v59;
	v34 =	vld.idx.msk [tilespmem:v61+s3+$0x0], $0xffff  }
0x207: {  	v32 =	vor.u32 v12, v59;
	v37 =	vld.idx.msk [tilespmem:v62+s3+$0x0], $0xffff  }
0x208: {  	v38 =	vld.idx.msk [tilespmem:v63+s3+$0x0], $0xffff  }
0x209: {  	s17 =	simm.s32 $0x1D4C0;
	s18 =	simm.s32 $0x10;
	s15 =	simm.s32 $0x1D4C0;
	v35 =	vld.idx.msk [tilespmem:v41+s3+$0x0], $0xffff  }
.LBB2_10:
0x20a: {  	p0 =	sne.s32 s18, $0x7C0;
	v40 =	vld.idx.msk [tilespmem:v40+s3+$0x0], $0xffff;
	s16 =	sadd.s32 $0x10, s16;
	s17 =	sadd.s32 $0x10, s17  }
0x20b: {  	s19 =	smov.u32 s18;
	s18 =	sadd.s32 $0x10, s18;
	v39 =	vld.idx.msk [tilespmem:v39+s3+$0x0], $0xffff  }
0x20c: {  	v33 =	vadd.f32 v33, v36;
	v32 =	vld.idx.msk [tilespmem:v32+s3+$0x0], $0xffff  }
0x20d: {  	v26 =	vadd.f32 v26, v34;
	v28 =	vadd.f32 v28, v37  }
0x20e: {  	v33 =	vmax.f32 v33, $0.0e+00;
	v29 =	vadd.f32 v29, v38  }
0x20f: {  	v26 =	vmax.f32 v26, $0.0e+00;
	v28 =	vmax.f32 v28, $0.0e+00;
	v31 =	vadd.f32 v31, v35  }
0x210: {  	v26 =	vmul.f32 v26, v24;
	v29 =	vmax.f32 v29, $0.0e+00;
	v27 =	vadd.f32 v27, v40  }
0x211: {  	v28 =	vmul.f32 v28, v22;
	v31 =	vmax.f32 v31, $0.0e+00;
	v30 =	vadd.f32 v30, v39  }
0x212: {  	v25 =	vadd.f32 v25, v32;
	v27 =	vmax.f32 v27, $0.0e+00;
	v32 =	vmul.f32 v33, v23  }
0x213: {  	v26 =	vadd.f32 v28, v26;
	v30 =	vmax.f32 v30, $0.0e+00;
	v27 =	vmul.f32 v27, v21  }
0x214: {  	v29 =	vmul.f32 v29, v20;
	v25 =	vmax.f32 v25, $0.0e+00;
	v28 =	vmul.f32 v30, v19  }
0x215: {  	v31 =	vmul.f32 v31, v17;
	v30 =	vmov s19;
	v25 =	vmul.f32 v25, v18  }
0x216: {  	v30 =	vshll.u32 v30, $0x3;
	v28 =	vadd.f32 v29, v28  }
0x217: {  	v27 =	vadd.f32 v32, v27;
	v29 =	vor.u32 v8, v30;
	v25 =	vadd.f32 v25, v31  }
0x218: {  	v30 =	vor.u32 v9, v29;
	v33 =	vor.u32 v16, v29  }
0x219: {  	v31 =	vor.u32 v11, v29;
	v25 =	vadd.f32 v25, v26;
	v26 =	vadd.f32 v27, v28  }
0x21a: {  	v27 =	vor.u32 v10, v29  }
0x21b: {  	v32 =	vor.u32 v14, v29;
	v34 =	vor.u32 v15, v29;
	v25 =	vadd.f32 v26, v25;
	_ =	sdelay $0x1  }
0x21c: {  	[tilespmem:s15+$0x0] =	vst v25;
	s15 =	smov.u32 s17  }
0x21d: {  	v25 =	vld [tilespmem:s16+$0x0]  }
0x21e: {  	v26 =	vld.idx.msk [tilespmem:v30+s28+$0x0], $0xffff  }
0x21f: {  	v30 =	vor.u32 v12, v29;
	v28 =	vld.idx.msk [tilespmem:v27+s28+$0x0], $0xffff  }
0x220: {  	v35 =	vor.u32 v13, v29;
	v29 =	vld.idx.msk [tilespmem:v32+s28+$0x0], $0xffff;
	_ =	sdelay $0x1  }
0x221: {  	v36 =	vshll.u32 v25, $0x3  }
0x222: {  	v32 =	vor.u32 v12, v36;
	v38 =	vor.u32 v14, v36;
	v27 =	vld.idx.msk [tilespmem:v34+s28+$0x0], $0xffff;
	v34 =	vor.u32 v16, v36  }
0x223: {  	v37 =	vor.u32 v9, v36;
	v41 =	vor.u32 v10, v36;
	v39 =	vor.u32 v13, v36;
	v25 =	vld.idx.msk [tilespmem:v30+s28+$0x0], $0xffff  }
0x224: {  	v42 =	vor.u32 v11, v36;
	v40 =	vor.u32 v15, v36;
	v30 =	vld.idx.msk [tilespmem:v35+s28+$0x0], $0xffff  }
0x225: {  	v31 =	vld.idx.msk [tilespmem:v31+s28+$0x0], $0xffff  }
0x226: {  	v33 =	vld.idx.msk [tilespmem:v33+s28+$0x0], $0xffff  }
.Ltmp4:
0x227: {  	v36 =	vld.idx.msk [tilespmem:v34+s3+$0x0], $0xffff;
	(pc) =	sbr.rel @p0 .LBB2_10-.Ltmp4, $4  }
0x228: {  	v34 =	vld.idx.msk [tilespmem:v37+s3+$0x0], $0xffff  }
0x229: {  	v37 =	vld.idx.msk [tilespmem:v41+s3+$0x0], $0xffff  }
0x22a: {  	v38 =	vld.idx.msk [tilespmem:v38+s3+$0x0], $0xffff  }
0x22b: {  	v35 =	vld.idx.msk [tilespmem:v42+s3+$0x0], $0xffff  }
0x22c: {  	_ =	sdelay $0x3  }
0x22d: {  	v40 =	vld.idx.msk [tilespmem:v40+s3+$0x0], $0xffff  }
0x22e: {  	v39 =	vld.idx.msk [tilespmem:v39+s3+$0x0], $0xffff;
	v33 =	vadd.f32 v33, v36  }
0x22f: {  	v32 =	vld.idx.msk [tilespmem:v32+s3+$0x0], $0xffff;
	v26 =	vadd.f32 v26, v34  }
0x230: {  	v28 =	vadd.f32 v28, v37;
	v33 =	vmax.f32 v33, $0.0e+00  }
0x231: {  	v29 =	vadd.f32 v29, v38;
	v26 =	vmax.f32 v26, $0.0e+00;
	v23 =	vmul.f32 v33, v23  }
0x232: {  	v28 =	vmax.f32 v28, $0.0e+00;
	v31 =	vadd.f32 v31, v35;
	v24 =	vmul.f32 v26, v24  }
0x233: {  	v60 =	vadd.f32 v27, v40;
	v61 =	vmax.f32 v29, $0.0e+00;
	v62 =	vadd.f32 v30, v39  }
0x234: {  	v22 =	vmul.f32 v28, v22;
	v25 =	vadd.f32 v25, v32;
	v63 =	vmax.f32 v31, $0.0e+00  }
0x235: {  	v20 =	vmul.f32 v61, v20;
	v26 =	vmax.f32 v60, $0.0e+00;
	v28 =	vmax.f32 v62, $0.0e+00  }
0x236: {  	v25 =	vmax.f32 v25, $0.0e+00;
	v17 =	vmul.f32 v63, v17;
	v19 =	vmul.f32 v28, v19  }
0x237: {  	v21 =	vmul.f32 v26, v21;
	v18 =	vmul.f32 v25, v18  }
0x238: {  	v22 =	vadd.f32 v22, v24;
	v19 =	vadd.f32 v20, v19  }
0x239: {  	v17 =	vadd.f32 v18, v17;
	v18 =	vadd.f32 v23, v21;
	_ =	sdelay $0x1  }
0x23a: {  	v17 =	vadd.f32 v17, v22;
	v18 =	vadd.f32 v18, v19;
	_ =	sdelay $0x1  }
0x23b: {  	v17 =	vadd.f32 v18, v17;
	_ =	sdelay $0x1  }
0x23c: {  	s18 =	rddreg [dreg:$0x11];
	[tilespmem:s15+$0x0] =	vst v17  }
0x23d: {  	[hbm4b:s18+s3] =	stream.linear.scatter [tilespmem:s21], [sflag:$0x4], $0x7D0, $0x38;
	[tilespmem:$0x1E4E0] =	vst v63  }
0x23e: {  	_ =	swait.ge [sflag:s13], $0x7D0  }
0x23f: {  	[sflag:s13] =	ssyncset.done $0x0  }
0x240: {  	[sflag:s13] =	ssyncadd.s32 $0xFFFFF830  }
0x241: {  	_ =	swait.ge [sflag:s13], $0x7D0  }
0x242: {  	s14 =	sadd.s32 $0x1, s14;
	s19 =	rddreg [dreg:$0x12]  }
0x243: {  	p0 =	sne.s32 s14, s19  }
.Ltmp5:
0x244: {  	_ = 	snop;
	(pc) =	sbr.rel @p0 .LBB2_1-.Ltmp5, $3  }
0x245: {  	_ =	sdelay $0x1  }
0x246: {  	[sflag:s13] =	ssyncset.done $0x0  }
0x247: {  	[sflag:s13] =	ssyncadd.s32 $0xFFFFF830  }
0x248: {  	_ =	sfence.sel $0x180000  }
0x249: {  	[bflag:$0x0] =	sbarrier.arrive $0xFFFF  }
0x24a: {  	_ =	strace $0x90000047  }
0x24b: {  	s0 =	stileid.u32;
	[bflag:$0x2] =	sbarrier.arrive $0xFFFF  }
0x24c: {  	p0 =	sne.s32 s0, $0x0;
	s0 =	rddreg [dreg:$0x2]  }
0x24d: {  	s0 =	sadd.s32 @!p0 $0x100000, s0  }
0x24e: {  	[sflag:s0] =	ssyncadd.tile.s32 @!p0 $0x1;
	_ =	shalt  }
.Lfunc_end2:
_tile_overlayer_lowered:
.L_overlay_start_2:
0x24f: {  	(tag) =	ssettag $0x2  }
0x250: {  	s0 =	rddreg [dreg:$0x0];
	s2 =	stileid.u32  }
0x251: {  	s1 =	rddreg [dreg:$0x1];
	p0 =	sne.s32 s2, $0x0  }
0x252: {  	s3 =	rddreg [dreg:$0x2];
	[bflag:$0x3] =	sbarrier.arrive $0xFFFF;
	s2 =	simm.s32 @!p0 $0x1C05  }
0x253: {  	[timem:s3], [sflag:s2] =	dma.local @!p0 [hbm:s0], s1  }
0x254: {  	s0 =	simm.s32 @!p0 $0x5  }
0x255: {  	_ =	swait.ge @!p0 [sflag:s0], s1  }
0x256: {  	s1 =	ssub.s32 @!p0 $0x0, s1;
	[sflag:s0] =	ssyncset.done @!p0 $0x0  }
0x257: {  	[sflag:s0] =	ssyncadd.s32 @!p0 s1  }
0x258: {  	[bflag:$0x3] =	sbarrier.arrive $0xFFFF  }
0x259: {  	_ =	shalt  }

</sc_bundles>
